<compile_context>
chip_gen: v7x
topology: tpu7x:2x2x1
jax: 0.10.2.dev20260603
libtpu: 0.0.44.dev20260713+nightly
codegen_flags: <defaults>
</compile_context>

<pallas_src>
import functools

import jax
import jax.numpy as jnp
from jax import lax
from jax.experimental import pallas as pl
from jax.experimental.pallas import tpu as pltpu
from jax.experimental.pallas import tpu_sc as plsc

N = 10000
E = 320000
D = 128
G = 128
L = 3

NC = 2
NS = 16

K = 128
CH0 = 100
CH1 = 58
EP = NS * (CH0 + CH1) * K

NPAD = 16 * 632
DUMMY = N + 8
ZR = 632
OUTR = 624
OUT_TAIL = N - NS * OUTR


def _sc_agg_body(z_hbm, src_hbm, dst_hbm, out_hbm, idx_s, idx_d, rows, acc, sem):
    c = lax.axis_index("c")
    s = lax.axis_index("s")

    def zero_body(i, _):
        rows[i // 8, pl.ds((i % 8) * 16, 16)] = jnp.zeros((16,), jnp.float32)
        return 0

    lax.fori_loop(0, K * 8, zero_body, 0)
    zbase = s * ZR
    for t in range(ZR // K):
        pltpu.sync_copy(rows, acc.at[pl.ds(zbase + t * K, K)])
    rem = ZR % K
    if rem:
        pltpu.sync_copy(rows.at[pl.ds(0, rem)], acc.at[pl.ds(zbase + (ZR // K) * K, rem)])
    plsc.subcore_barrier()

    wbase = jnp.where(c == 0, s * (CH0 * K), NS * (CH0 * K) + s * (CH1 * K))
    nchunks = jnp.where(c == 0, CH0, CH1)

    def chunk_body(k, _):
        off = wbase + k * K
        pltpu.sync_copy(src_hbm.at[pl.ds(off, K)], idx_s)
        pltpu.sync_copy(dst_hbm.at[pl.ds(off, K)], idx_d)
        pltpu.async_copy(z_hbm.at[idx_s], rows, sem).wait()
        pltpu.sync_copy(rows, acc.at[idx_d], add=True)
        return 0

    lax.fori_loop(0, nchunks, chunk_body, 0)
    plsc.subcore_barrier()

    obase = s * OUTR
    pltpu.sync_copy(acc.at[pl.ds(obase, OUTR)], out_hbm.at[c, pl.ds(obase, OUTR)])

    @pl.when(s == 0)
    def _():
        pltpu.sync_copy(acc.at[pl.ds(NS * OUTR, OUT_TAIL)],
                        out_hbm.at[c, pl.ds(NS * OUTR, OUT_TAIL)])


@functools.cache
def _sc_agg():
    return pl.kernel(
        _sc_agg_body,
        out_type=jax.ShapeDtypeStruct((NC, N, D), jnp.float32),
        mesh=plsc.VectorSubcoreMesh(core_axis_name="c", subcore_axis_name="s"),
        scratch_types=[
            pltpu.VMEM((K,), jnp.int32),
            pltpu.VMEM((K,), jnp.int32),
            pltpu.VMEM((K, D), jnp.float32),
            pltpu.VMEM_SHARED((NPAD, D), jnp.float32),
            pltpu.SemaphoreType.DMA,
        ],
    )


def _tc_layer_body(z_ref, agg_ref, w1_ref, b1_ref, w2_ref, b2_ref, gam_ref,
                   bet_ref, batch_ref, zout_ref, g_ref):
    z = z_ref[...]
    h = z + agg_ref[0] + agg_ref[1]
    h = jnp.dot(h, w1_ref[...], preferred_element_type=jnp.float32) + b1_ref[...][None, :]
    h = jnp.maximum(h, 0.0)
    h = jnp.dot(h, w2_ref[...], preferred_element_type=jnp.float32) + b2_ref[...][None, :]
    zr = jnp.maximum(h, 0.0)
    mu = jnp.sum(zr, axis=0) * (1.0 / N)
    d = zr - mu[None, :]
    var = jnp.sum(d * d, axis=0) * (1.0 / N)
    zn = d * lax.rsqrt(var + 1e-5)[None, :] * gam_ref[...][None, :] + bet_ref[...][None, :]
    zout_ref[...] = zn
    ids = batch_ref[...]
    iota = lax.broadcasted_iota(jnp.int32, (G, N), 0)
    oh = jnp.where(iota == ids[None, :], 1.0, 0.0)
    g_ref[...] = jnp.dot(oh, zn, preferred_element_type=jnp.float32,
                         precision=lax.Precision.HIGHEST)


_tc_layer = pl.pallas_call(
    _tc_layer_body,
    out_shape=[
        jax.ShapeDtypeStruct((N, D), jnp.float32),
        jax.ShapeDtypeStruct((G, D), jnp.float32),
    ],
)


def kernel(x, edge_index, batch, W1, b1, W2, b2, gamma, beta):
    pad = EP - E
    srcp = jnp.concatenate([edge_index[0], jnp.zeros((pad,), jnp.int32)])
    dstp = jnp.concatenate([edge_index[1], jnp.full((pad,), DUMMY, jnp.int32)])
    z = x
    gs = []
    for i in range(L):
        agg = _sc_agg()(z, srcp, dstp)
        z, g = _tc_layer(z, agg, W1[i], b1[i], W2[i], b2[i], gamma, beta, batch)
        gs.append(g)
    return jnp.concatenate(gs, axis=1)

# --- scband reference (transcript-rebuilt; emitter-appended) ---
"""Pipeline reference for scband-gcn-2001454760610 (READ-ONLY COPY).

The authoritative reference and input builder live on the scoring server;
editing this copy changes nothing except your own understanding.
"""

import jax, jax.numpy as jnp
import numpy as np

N = 10000
E = 320000
D = 128
H = 128
L = 3
G = 128


def setup_inputs(seed: int = 0) -> dict:
    key = jax.random.key(seed)
    ks = jax.random.split(key, 4 + 4 * L)
    inp = {}
    inp["x"] = jax.random.normal(ks[0], (N, D), dtype=jnp.float32)
    inp["edge_index"] = jax.random.randint(ks[1], (2, E), 0, N, dtype=jnp.int32)
    inp["batch"] = jnp.sort(jax.random.randint(ks[2], (N,), 0, G, dtype=jnp.int32))
    W1, b1, W2, b2 = [], [], [], []
    for i in range(L):
        din = D if i == 0 else H
        W1.append(jax.random.normal(ks[3 + 4 * i], (din, H), dtype=jnp.float32) * 0.02)
        b1.append(jnp.zeros((H,), dtype=jnp.float32))
        W2.append(jax.random.normal(ks[4 + 4 * i], (H, H), dtype=jnp.float32) * 0.02)
        b2.append(jnp.zeros((H,), dtype=jnp.float32))
    inp["W1"] = tuple(W1)
    inp["b1"] = tuple(b1)
    inp["W2"] = tuple(W2)
    inp["b2"] = tuple(b2)
    # BatchNorm1d is shared across layers in the original module ([BN]*L)
    inp["gamma"] = jnp.ones((H,), dtype=jnp.float32)
    inp["beta"] = jnp.zeros((H,), dtype=jnp.float32)
    return inp


def _batchnorm_train(z, gamma, beta):
    mu = jnp.mean(z, axis=0)
    var = jnp.var(z, axis=0)
    return (z - mu) / jnp.sqrt(var + 1e-5) * gamma + beta


def reference(x, edge_index, batch, W1, b1, W2, b2, gamma, beta):
    src = edge_index[0]
    dst = edge_index[1]
    z = x
    g = []
    for i in range(L):
        # GINConv with eps=0: h = mlp((1+eps)*z + sum_{j in N(i)} z_j)
        agg = jax.ops.segment_sum(z[src], dst, num_segments=N)
        h = z + agg
        h = jnp.maximum(h @ W1[i] + b1[i], 0.0)  # Linear -> ReLU
        h = h @ W2[i] + b2[i]                    # Linear
        z = jnp.maximum(h, 0.0)                  # self.activation
        z = _batchnorm_train(z, gamma, beta)     # BatchNorm1d (train mode)
        # readout == 'sum' -> global_add_pool
        g.append(jax.ops.segment_sum(z, batch, num_segments=G))
    return jnp.concatenate(g, axis=1)

if __name__ == "__main__":
    import jax
    _d = setup_inputs()
    print(jax.jit(kernel)(*tuple(_d.values())))

</pallas_src>

<mosaic_0001>
#map = affine_map<(d0, d1) -> (0, 0)>
#map1 = affine_map<(d0, d1) -> (0)>
#map2 = affine_map<(d0, d1) -> (0, 0, 0)>
module attributes {stable_mosaic.version = 14 : i64} {
  func.func @_sc_agg_body(%arg0: i32, %arg1: i32, %arg2: memref<10000x128xf32, #tpu.memory_space<hbm>>, %arg3: memref<323584xi32, #tpu.memory_space<hbm>>, %arg4: memref<323584xi32, #tpu.memory_space<hbm>>, %arg5: memref<2x10000x128xf32, #tpu.memory_space<hbm>>, %arg6: memref<128xi32, #tpu.memory_space<vmem>>, %arg7: memref<128xi32, #tpu.memory_space<vmem>>, %arg8: memref<128x128xf32, #tpu.memory_space<vmem>>, %arg9: memref<10112x128xf32, #tpu.memory_space<vmem_shared>>, %arg10: memref<!tpu.dma_semaphore, #tpu.memory_space<semaphore_mem>>) attributes {dimension_semantics = [#tpu.dimension_semantics<core_parallel>, #tpu.dimension_semantics<subcore_parallel>], iteration_bounds = array<i64: 2, 16>, scalar_prefetch = 0 : i64, scratch_operands = 5 : i64, tpu.core_type = #tpu.core_type<sc_vector_subcore>, window_params = [{transform_indices = #map}, {transform_indices = #map1}, {transform_indices = #map1}, {transform_indices = #map2}]} {
    %scan3A = arith.constant 0 : i32
    %scan3A_0 = arith.constant 0 : i32
    %scan3A_1 = arith.constant 1024 : i32
    %scan3A_2 = arith.addi %scan3A_0, %scan3A_1 : i32
    %scan3A_3 = arith.constant 1 : i32
    %scan3A_4 = scf.for %scan3A_44 = %scan3A_0 to %scan3A_2 step %scan3A_3 iter_args(%scan3A_45 = %scan3A) -> (i32)  : i32 {
      %broadcast_in_dim3A = arith.constant 0.000000e+00 : f32
      %broadcast_in_dim3A_46 = vector.broadcast %broadcast_in_dim3A : f32 to vector<16xf32>
      %jit3A_47 = arith.constant 8 : i32
      %div3A = arith.divsi %scan3A_44, %jit3A_47 : i32
      %sign3A = arith.constant 0 : i32
      %sign3A_48 = arith.cmpi sgt, %scan3A_44, %sign3A : i32
      %sign3A_49 = arith.extui %sign3A_48 : i1 to i32
      %sign3A_50 = arith.constant 0 : i32
      %sign3A_51 = arith.cmpi slt, %scan3A_44, %sign3A_50 : i32
      %sign3A_52 = arith.extui %sign3A_51 : i1 to i32
      %sign3A_53 = arith.subi %sign3A_49, %sign3A_52 : i32
      %sign3A_54 = arith.constant 0 : i32
      %sign3A_55 = arith.cmpi sgt, %jit3A_47, %sign3A_54 : i32
      %sign3A_56 = arith.extui %sign3A_55 : i1 to i32
      %sign3A_57 = arith.constant 0 : i32
      %sign3A_58 = arith.cmpi slt, %jit3A_47, %sign3A_57 : i32
      %sign3A_59 = arith.extui %sign3A_58 : i1 to i32
      %sign3A_60 = arith.subi %sign3A_56, %sign3A_59 : i32
      %ne3A = arith.cmpi ne, %sign3A_53, %sign3A_60 : i32
      %rem3A = arith.remsi %scan3A_44, %jit3A_47 : i32
      %ne3A_61 = arith.constant 0 : i32
      %ne3A_62 = arith.cmpi ne, %rem3A, %ne3A_61 : i32
      %and3A = arith.andi %ne3A, %ne3A_62 : i1
      %sub3A = arith.constant 1 : i32
      %sub3A_63 = arith.subi %div3A, %sub3A : i32
      %select_n3A_64 = arith.select %and3A, %sub3A_63, %div3A : i32
      %jit3A_65 = arith.constant 8 : i32
      %eq3A_66 = arith.constant 0 : i32
      %eq3A_67 = arith.cmpi eq, %jit3A_65, %eq3A_66 : i32
      %jit3A_68 = arith.constant 1 : i32
      %select_n3A_69 = arith.select %eq3A_67, %jit3A_68, %jit3A_65 : i32
      %rem3A_70 = arith.remsi %scan3A_44, %select_n3A_69 : i32
      %ne3A_71 = arith.constant 0 : i32
      %ne3A_72 = arith.cmpi ne, %rem3A_70, %ne3A_71 : i32
      %lt3A = arith.constant 0 : i32
      %lt3A_73 = arith.cmpi slt, %rem3A_70, %lt3A : i32
      %lt3A_74 = arith.constant 0 : i32
      %lt3A_75 = arith.cmpi slt, %select_n3A_69, %lt3A_74 : i32
      %ne3A_76 = arith.xori %lt3A_73, %lt3A_75 : i1
      %and3A_77 = arith.andi %ne3A_76, %ne3A_72 : i1
      %add3A_78 = arith.addi %rem3A_70, %select_n3A_69 : i32
      %select_n3A_79 = arith.select %and3A_77, %add3A_78, %rem3A_70 : i32
      %mul3A_80 = arith.constant 16 : i32
      %mul3A_81 = arith.muli %select_n3A_79, %mul3A_80 : i32
      %swap3A = arith.index_cast %select_n3A_64 : i32 to index
      %swap3A_82 = arith.index_cast %mul3A_81 : i32 to index
      %swap3A_83 = tpu.vector_load %arg8[%swap3A, %swap3A_82] {strides = array<i32>} : memref<128x128xf32, #tpu.memory_space<vmem>>, vector<1x16xf32>,
      %swap3A_84 = vector.shape_cast %swap3A_83 : vector<1x16xf32> to vector<16xf32>
      %swap3A_85 = vector.shape_cast %broadcast_in_dim3A_46 : vector<16xf32> to vector<1x16xf32>
      tpu.vector_store %arg8[%swap3A, %swap3A_82], %swap3A_85 {strides = array<i32>} : memref<128x128xf32, #tpu.memory_space<vmem>>, vector<1x16xf32>,
      %scan3A_86 = arith.constant 0 : i32
      scf.yield %scan3A_86 : i32
    }
    %scan3A_5 = arith.constant 1024 : i32
    %mul3A = arith.constant 632 : i32
    %mul3A_6 = arith.muli %arg1, %mul3A : i32
    %add3A = arith.constant 0 : i32
    %add3A_7 = arith.addi %mul3A_6, %add3A : i32
    "tpu.region"() ({
      %run_scoped3A = tpu.sem_alloc : memref<!tpu.dma_semaphore, #tpu.memory_space<semaphore_mem>>
      %dma_start3A = arith.constant 0 : i32
      %dma_start3A_44 = tpu.memref_slice %arg9[%add3A_7, %dma_start3A] : memref<10112x128xf32, #tpu.memory_space<vmem_shared>> -> memref<128x128xf32, #tpu.memory_space<vmem_shared>>
      %dma_start3A_45 = arith.constant 0 : i32
      %dma_start3A_46 = tpu.memref_slice %arg9[%add3A_7, %dma_start3A_45] : memref<10112x128xf32, #tpu.memory_space<vmem_shared>> -> memref<128x128xf32, #tpu.memory_space<vmem_shared>>
      tpu.enqueue_dma source(%arg8 : memref<128x128xf32, #tpu.memory_space<vmem>>) target(%dma_start3A_46 : memref<128x128xf32, #tpu.memory_space<vmem_shared>>) target_semaphore(%run_scoped3A : memref<!tpu.dma_semaphore, #tpu.memory_space<semaphore_mem>>)
      %dma_wait3A = arith.constant 0 : i32
      %dma_wait3A_47 = tpu.memref_slice %arg9[%add3A_7, %dma_wait3A] : memref<10112x128xf32, #tpu.memory_space<vmem_shared>> -> memref<128x128xf32, #tpu.memory_space<vmem_shared>>
      %dma_wait3A_48 = arith.constant 0 : i32
      %dma_wait3A_49 = tpu.memref_slice %arg9[%add3A_7, %dma_wait3A_48] : memref<10112x128xf32, #tpu.memory_space<vmem_shared>> -> memref<128x128xf32, #tpu.memory_space<vmem_shared>>
      tpu.wait_dma2 semaphore(%run_scoped3A : memref<!tpu.dma_semaphore, #tpu.memory_space<semaphore_mem>>) src(%arg8 : memref<128x128xf32, #tpu.memory_space<vmem>>) dst(%dma_wait3A_49 : memref<128x128xf32, #tpu.memory_space<vmem_shared>>)
      tpu.yield
    }) : () -> ()
    %add3A_8 = arith.constant 128 : i32
    %add3A_9 = arith.addi %mul3A_6, %add3A_8 : i32
    "tpu.region"() ({
      %run_scoped3A = tpu.sem_alloc : memref<!tpu.dma_semaphore, #tpu.memory_space<semaphore_mem>>
      %dma_start3A = arith.constant 0 : i32
      %dma_start3A_44 = tpu.memref_slice %arg9[%add3A_9, %dma_start3A] : memref<10112x128xf32, #tpu.memory_space<vmem_shared>> -> memref<128x128xf32, #tpu.memory_space<vmem_shared>>
      %dma_start3A_45 = arith.constant 0 : i32
      %dma_start3A_46 = tpu.memref_slice %arg9[%add3A_9, %dma_start3A_45] : memref<10112x128xf32, #tpu.memory_space<vmem_shared>> -> memref<128x128xf32, #tpu.memory_space<vmem_shared>>
      tpu.enqueue_dma source(%arg8 : memref<128x128xf32, #tpu.memory_space<vmem>>) target(%dma_start3A_46 : memref<128x128xf32, #tpu.memory_space<vmem_shared>>) target_semaphore(%run_scoped3A : memref<!tpu.dma_semaphore, #tpu.memory_space<semaphore_mem>>)
      %dma_wait3A = arith.constant 0 : i32
      %dma_wait3A_47 = tpu.memref_slice %arg9[%add3A_9, %dma_wait3A] : memref<10112x128xf32, #tpu.memory_space<vmem_shared>> -> memref<128x128xf32, #tpu.memory_space<vmem_shared>>
      %dma_wait3A_48 = arith.constant 0 : i32
      %dma_wait3A_49 = tpu.memref_slice %arg9[%add3A_9, %dma_wait3A_48] : memref<10112x128xf32, #tpu.memory_space<vmem_shared>> -> memref<128x128xf32, #tpu.memory_space<vmem_shared>>
      tpu.wait_dma2 semaphore(%run_scoped3A : memref<!tpu.dma_semaphore, #tpu.memory_space<semaphore_mem>>) src(%arg8 : memref<128x128xf32, #tpu.memory_space<vmem>>) dst(%dma_wait3A_49 : memref<128x128xf32, #tpu.memory_space<vmem_shared>>)
      tpu.yield
    }) : () -> ()
    %add3A_10 = arith.constant 256 : i32
    %add3A_11 = arith.addi %mul3A_6, %add3A_10 : i32
    "tpu.region"() ({
      %run_scoped3A = tpu.sem_alloc : memref<!tpu.dma_semaphore, #tpu.memory_space<semaphore_mem>>
      %dma_start3A = arith.constant 0 : i32
      %dma_start3A_44 = tpu.memref_slice %arg9[%add3A_11, %dma_start3A] : memref<10112x128xf32, #tpu.memory_space<vmem_shared>> -> memref<128x128xf32, #tpu.memory_space<vmem_shared>>
      %dma_start3A_45 = arith.constant 0 : i32
      %dma_start3A_46 = tpu.memref_slice %arg9[%add3A_11, %dma_start3A_45] : memref<10112x128xf32, #tpu.memory_space<vmem_shared>> -> memref<128x128xf32, #tpu.memory_space<vmem_shared>>
      tpu.enqueue_dma source(%arg8 : memref<128x128xf32, #tpu.memory_space<vmem>>) target(%dma_start3A_46 : memref<128x128xf32, #tpu.memory_space<vmem_shared>>) target_semaphore(%run_scoped3A : memref<!tpu.dma_semaphore, #tpu.memory_space<semaphore_mem>>)
      %dma_wait3A = arith.constant 0 : i32
      %dma_wait3A_47 = tpu.memref_slice %arg9[%add3A_11, %dma_wait3A] : memref<10112x128xf32, #tpu.memory_space<vmem_shared>> -> memref<128x128xf32, #tpu.memory_space<vmem_shared>>
      %dma_wait3A_48 = arith.constant 0 : i32
      %dma_wait3A_49 = tpu.memref_slice %arg9[%add3A_11, %dma_wait3A_48] : memref<10112x128xf32, #tpu.memory_space<vmem_shared>> -> memref<128x128xf32, #tpu.memory_space<vmem_shared>>
      tpu.wait_dma2 semaphore(%run_scoped3A : memref<!tpu.dma_semaphore, #tpu.memory_space<semaphore_mem>>) src(%arg8 : memref<128x128xf32, #tpu.memory_space<vmem>>) dst(%dma_wait3A_49 : memref<128x128xf32, #tpu.memory_space<vmem_shared>>)
      tpu.yield
    }) : () -> ()
    %add3A_12 = arith.constant 384 : i32
    %add3A_13 = arith.addi %mul3A_6, %add3A_12 : i32
    "tpu.region"() ({
      %run_scoped3A = tpu.sem_alloc : memref<!tpu.dma_semaphore, #tpu.memory_space<semaphore_mem>>
      %dma_start3A = arith.constant 0 : i32
      %dma_start3A_44 = tpu.memref_slice %arg9[%add3A_13, %dma_start3A] : memref<10112x128xf32, #tpu.memory_space<vmem_shared>> -> memref<128x128xf32, #tpu.memory_space<vmem_shared>>
      %dma_start3A_45 = arith.constant 0 : i32
      %dma_start3A_46 = tpu.memref_slice %arg9[%add3A_13, %dma_start3A_45] : memref<10112x128xf32, #tpu.memory_space<vmem_shared>> -> memref<128x128xf32, #tpu.memory_space<vmem_shared>>
      tpu.enqueue_dma source(%arg8 : memref<128x128xf32, #tpu.memory_space<vmem>>) target(%dma_start3A_46 : memref<128x128xf32, #tpu.memory_space<vmem_shared>>) target_semaphore(%run_scoped3A : memref<!tpu.dma_semaphore, #tpu.memory_space<semaphore_mem>>)
      %dma_wait3A = arith.constant 0 : i32
      %dma_wait3A_47 = tpu.memref_slice %arg9[%add3A_13, %dma_wait3A] : memref<10112x128xf32, #tpu.memory_space<vmem_shared>> -> memref<128x128xf32, #tpu.memory_space<vmem_shared>>
      %dma_wait3A_48 = arith.constant 0 : i32
      %dma_wait3A_49 = tpu.memref_slice %arg9[%add3A_13, %dma_wait3A_48] : memref<10112x128xf32, #tpu.memory_space<vmem_shared>> -> memref<128x128xf32, #tpu.memory_space<vmem_shared>>
      tpu.wait_dma2 semaphore(%run_scoped3A : memref<!tpu.dma_semaphore, #tpu.memory_space<semaphore_mem>>) src(%arg8 : memref<128x128xf32, #tpu.memory_space<vmem>>) dst(%dma_wait3A_49 : memref<128x128xf32, #tpu.memory_space<vmem_shared>>)
      tpu.yield
    }) : () -> ()
    %add3A_14 = arith.constant 512 : i32
    %add3A_15 = arith.addi %mul3A_6, %add3A_14 : i32
    "tpu.region"() ({
      %run_scoped3A = tpu.sem_alloc : memref<!tpu.dma_semaphore, #tpu.memory_space<semaphore_mem>>
      %dma_start3A = arith.constant 0 : i32
      %dma_start3A_44 = arith.constant 0 : i32
      %dma_start3A_45 = tpu.memref_slice %arg8[%dma_start3A, %dma_start3A_44] : memref<128x128xf32, #tpu.memory_space<vmem>> -> memref<120x128xf32, #tpu.memory_space<vmem>>
      %dma_start3A_46 = arith.constant 0 : i32
      %dma_start3A_47 = tpu.memref_slice %arg9[%add3A_15, %dma_start3A_46] : memref<10112x128xf32, #tpu.memory_space<vmem_shared>> -> memref<120x128xf32, #tpu.memory_space<vmem_shared>>
      %dma_start3A_48 = arith.constant 0 : i32
      %dma_start3A_49 = tpu.memref_slice %arg9[%add3A_15, %dma_start3A_48] : memref<10112x128xf32, #tpu.memory_space<vmem_shared>> -> memref<120x128xf32, #tpu.memory_space<vmem_shared>>
      %dma_start3A_50 = arith.constant 0 : i32
      %dma_start3A_51 = arith.constant 0 : i32
      %dma_start3A_52 = tpu.memref_slice %arg8[%dma_start3A_50, %dma_start3A_51] : memref<128x128xf32, #tpu.memory_space<vmem>> -> memref<120x128xf32, #tpu.memory_space<vmem>>
      tpu.enqueue_dma source(%dma_start3A_52 : memref<120x128xf32, #tpu.memory_space<vmem>>) target(%dma_start3A_49 : memref<120x128xf32, #tpu.memory_space<vmem_shared>>) target_semaphore(%run_scoped3A : memref<!tpu.dma_semaphore, #tpu.memory_space<semaphore_mem>>)
      %dma_wait3A = arith.constant 0 : i32
      %dma_wait3A_53 = arith.constant 0 : i32
      %dma_wait3A_54 = tpu.memref_slice %arg8[%dma_wait3A, %dma_wait3A_53] : memref<128x128xf32, #tpu.memory_space<vmem>> -> memref<120x128xf32, #tpu.memory_space<vmem>>
      %dma_wait3A_55 = arith.constant 0 : i32
      %dma_wait3A_56 = tpu.memref_slice %arg9[%add3A_15, %dma_wait3A_55] : memref<10112x128xf32, #tpu.memory_space<vmem_shared>> -> memref<120x128xf32, #tpu.memory_space<vmem_shared>>
      %dma_wait3A_57 = arith.constant 0 : i32
      %dma_wait3A_58 = tpu.memref_slice %arg9[%add3A_15, %dma_wait3A_57] : memref<10112x128xf32, #tpu.memory_space<vmem_shared>> -> memref<120x128xf32, #tpu.memory_space<vmem_shared>>
      %dma_wait3A_59 = arith.constant 0 : i32
      %dma_wait3A_60 = arith.constant 0 : i32
      %dma_wait3A_61 = tpu.memref_slice %arg8[%dma_wait3A_59, %dma_wait3A_60] : memref<128x128xf32, #tpu.memory_space<vmem>> -> memref<120x128xf32, #tpu.memory_space<vmem>>
      tpu.wait_dma2 semaphore(%run_scoped3A : memref<!tpu.dma_semaphore, #tpu.memory_space<semaphore_mem>>) src(%dma_wait3A_61 : memref<120x128xf32, #tpu.memory_space<vmem>>) dst(%dma_wait3A_58 : memref<120x128xf32, #tpu.memory_space<vmem_shared>>)
      tpu.yield
    }) : () -> ()
    %barrier3A = arith.constant 0 : index
    tpu.barrier barrier_id(%barrier3A)
    %eq3A = arith.constant 0 : i32
    %eq3A_16 = arith.cmpi eq, %arg0, %eq3A : i32
    %mul3A_17 = arith.constant 12800 : i32
    %mul3A_18 = arith.muli %arg1, %mul3A_17 : i32
    %mul3A_19 = arith.constant 7424 : i32
    %mul3A_20 = arith.muli %arg1, %mul3A_19 : i32
    %add3A_21 = arith.constant 204800 : i32
    %add3A_22 = arith.addi %add3A_21, %mul3A_20 : i32
    %select_n3A = arith.select %eq3A_16, %mul3A_18, %add3A_22 : i32
    %eq3A_23 = arith.constant 0 : i32
    %eq3A_24 = arith.cmpi eq, %arg0, %eq3A_23 : i32
    %jit3A = arith.constant 100 : i32
    %jit3A_25 = arith.constant 58 : i32
    %select_n3A_26 = arith.select %eq3A_24, %jit3A, %jit3A_25 : i32
    %while3A = arith.constant 0 : i32
    %while3A_27 = arith.constant 0 : i32
    %while3A_28 = arith.subi %select_n3A_26, %while3A : i32
    %while3A_29 = arith.addi %while3A, %while3A_28 : i32
    %while3A_30 = arith.constant 1 : i32
    %while3A_31 = arith.divsi %while3A_28, %while3A_30 : i32
    %while3A_32 = arith.muli %while3A_31, %while3A_30 : i32
    %while3A_33 = arith.addi %while3A, %while3A_32 : i32
    %while3A_34 = arith.constant 1 : i32
    %while3A_35 = scf.for %while3A_44 = %while3A to %while3A_33 step %while3A_34 iter_args(%while3A_45 = %while3A_27) -> (i32)  : i32 {
      %mul3A_46 = arith.constant 128 : i32
      %mul3A_47 = arith.muli %while3A_44, %mul3A_46 : i32
      %add3A_48 = arith.addi %select_n3A, %mul3A_47 : i32
      "tpu.region"() ({
        %run_scoped3A = tpu.sem_alloc : memref<!tpu.dma_semaphore, #tpu.memory_space<semaphore_mem>>
        %dma_start3A_54 = tpu.memref_slice %arg3[%add3A_48] : memref<323584xi32, #tpu.memory_space<hbm>> -> memref<128xi32, #tpu.memory_space<hbm>>
        %dma_start3A_55 = tpu.memref_slice %arg3[%add3A_48] : memref<323584xi32, #tpu.memory_space<hbm>> -> memref<128xi32, #tpu.memory_space<hbm>>
        tpu.enqueue_dma source(%dma_start3A_55 : memref<128xi32, #tpu.memory_space<hbm>>) target(%arg6 : memref<128xi32, #tpu.memory_space<vmem>>) target_semaphore(%run_scoped3A : memref<!tpu.dma_semaphore, #tpu.memory_space<semaphore_mem>>)
        %dma_wait3A_56 = tpu.memref_slice %arg3[%add3A_48] : memref<323584xi32, #tpu.memory_space<hbm>> -> memref<128xi32, #tpu.memory_space<hbm>>
        %dma_wait3A_57 = tpu.memref_slice %arg3[%add3A_48] : memref<323584xi32, #tpu.memory_space<hbm>> -> memref<128xi32, #tpu.memory_space<hbm>>
        tpu.wait_dma2 semaphore(%run_scoped3A : memref<!tpu.dma_semaphore, #tpu.memory_space<semaphore_mem>>) src(%dma_wait3A_57 : memref<128xi32, #tpu.memory_space<hbm>>) dst(%arg6 : memref<128xi32, #tpu.memory_space<vmem>>)
        tpu.yield
      }) : () -> ()
      "tpu.region"() ({
        %run_scoped3A = tpu.sem_alloc : memref<!tpu.dma_semaphore, #tpu.memory_space<semaphore_mem>>
        %dma_start3A_54 = tpu.memref_slice %arg4[%add3A_48] : memref<323584xi32, #tpu.memory_space<hbm>> -> memref<128xi32, #tpu.memory_space<hbm>>
        %dma_start3A_55 = tpu.memref_slice %arg4[%add3A_48] : memref<323584xi32, #tpu.memory_space<hbm>> -> memref<128xi32, #tpu.memory_space<hbm>>
        tpu.enqueue_dma source(%dma_start3A_55 : memref<128xi32, #tpu.memory_space<hbm>>) target(%arg7 : memref<128xi32, #tpu.memory_space<vmem>>) target_semaphore(%run_scoped3A : memref<!tpu.dma_semaphore, #tpu.memory_space<semaphore_mem>>)
        %dma_wait3A_56 = tpu.memref_slice %arg4[%add3A_48] : memref<323584xi32, #tpu.memory_space<hbm>> -> memref<128xi32, #tpu.memory_space<hbm>>
        %dma_wait3A_57 = tpu.memref_slice %arg4[%add3A_48] : memref<323584xi32, #tpu.memory_space<hbm>> -> memref<128xi32, #tpu.memory_space<hbm>>
        tpu.wait_dma2 semaphore(%run_scoped3A : memref<!tpu.dma_semaphore, #tpu.memory_space<semaphore_mem>>) src(%dma_wait3A_57 : memref<128xi32, #tpu.memory_space<hbm>>) dst(%arg7 : memref<128xi32, #tpu.memory_space<vmem>>)
        tpu.yield
      }) : () -> ()
      %dma_start3A = arith.constant 0 : i32
      %dma_start3A_49 = arith.constant 0 : i32
      %dma_start3A_50 = tpu.memref_slice %arg2[%dma_start3A, %dma_start3A_49] : memref<10000x128xf32, #tpu.memory_space<hbm>> -> memref<10000x128xf32, #tpu.memory_space<hbm>>
      tpu.enqueue_indirect_dma source(%dma_start3A_50 : memref<10000x128xf32, #tpu.memory_space<hbm>>) target(%arg8 : memref<128x128xf32, #tpu.memory_space<vmem>>) offsets(%arg6 : memref<128xi32, #tpu.memory_space<vmem>>) semaphore(%arg10 : memref<!tpu.dma_semaphore, #tpu.memory_space<semaphore_mem>>)
      %dma_wait3A = arith.constant 0 : i32
      %dma_wait3A_51 = arith.constant 0 : i32
      %dma_wait3A_52 = tpu.memref_slice %arg2[%dma_wait3A, %dma_wait3A_51] : memref<10000x128xf32, #tpu.memory_space<hbm>> -> memref<10000x128xf32, #tpu.memory_space<hbm>>
      tpu.wait_indirect_dma semaphore(%arg10 : memref<!tpu.dma_semaphore, #tpu.memory_space<semaphore_mem>>) src(%dma_wait3A_52 : memref<10000x128xf32, #tpu.memory_space<hbm>>) dst(%arg8 : memref<128x128xf32, #tpu.memory_space<vmem>>)
      "tpu.region"() ({
        %run_scoped3A = tpu.sem_alloc : memref<!tpu.dma_semaphore, #tpu.memory_space<semaphore_mem>>
        %dma_start3A_54 = arith.constant 0 : i32
        %dma_start3A_55 = arith.constant 0 : i32
        %dma_start3A_56 = tpu.memref_slice %arg9[%dma_start3A_54, %dma_start3A_55] : memref<10112x128xf32, #tpu.memory_space<vmem_shared>> -> memref<10112x128xf32, #tpu.memory_space<vmem_shared>>
        tpu.enqueue_indirect_dma source(%arg8 : memref<128x128xf32, #tpu.memory_space<vmem>>) target(%dma_start3A_56 : memref<10112x128xf32, #tpu.memory_space<vmem_shared>>) offsets(%arg7 : memref<128xi32, #tpu.memory_space<vmem>>) semaphore(%run_scoped3A : memref<!tpu.dma_semaphore, #tpu.memory_space<semaphore_mem>>) {add = true}
        %dma_wait3A_57 = arith.constant 0 : i32
        %dma_wait3A_58 = arith.constant 0 : i32
        %dma_wait3A_59 = tpu.memref_slice %arg9[%dma_wait3A_57, %dma_wait3A_58] : memref<10112x128xf32, #tpu.memory_space<vmem_shared>> -> memref<10112x128xf32, #tpu.memory_space<vmem_shared>>
        tpu.wait_indirect_dma semaphore(%run_scoped3A : memref<!tpu.dma_semaphore, #tpu.memory_space<semaphore_mem>>) src(%arg8 : memref<128x128xf32, #tpu.memory_space<vmem>>) dst(%dma_wait3A_59 : memref<10112x128xf32, #tpu.memory_space<vmem_shared>>)
        tpu.yield
      }) : () -> ()
      %while3A_53 = arith.constant 0 : i32
      scf.yield %while3A_53 : i32
    }
    %while3A_36 = arith.constant 1 : i32
    %while3A_37 = scf.for %while3A_44 = %while3A_33 to %while3A_29 step %while3A_36 iter_args(%while3A_45 = %while3A_35) -> (i32)  : i32 {
      %mul3A_46 = arith.constant 128 : i32
      %mul3A_47 = arith.muli %while3A_44, %mul3A_46 : i32
      %add3A_48 = arith.addi %select_n3A, %mul3A_47 : i32
      "tpu.region"() ({
        %run_scoped3A = tpu.sem_alloc : memref<!tpu.dma_semaphore, #tpu.memory_space<semaphore_mem>>
        %dma_start3A_54 = tpu.memref_slice %arg3[%add3A_48] : memref<323584xi32, #tpu.memory_space<hbm>> -> memref<128xi32, #tpu.memory_space<hbm>>
        %dma_start3A_55 = tpu.memref_slice %arg3[%add3A_48] : memref<323584xi32, #tpu.memory_space<hbm>> -> memref<128xi32, #tpu.memory_space<hbm>>
        tpu.enqueue_dma source(%dma_start3A_55 : memref<128xi32, #tpu.memory_space<hbm>>) target(%arg6 : memref<128xi32, #tpu.memory_space<vmem>>) target_semaphore(%run_scoped3A : memref<!tpu.dma_semaphore, #tpu.memory_space<semaphore_mem>>)
        %dma_wait3A_56 = tpu.memref_slice %arg3[%add3A_48] : memref<323584xi32, #tpu.memory_space<hbm>> -> memref<128xi32, #tpu.memory_space<hbm>>
        %dma_wait3A_57 = tpu.memref_slice %arg3[%add3A_48] : memref<323584xi32, #tpu.memory_space<hbm>> -> memref<128xi32, #tpu.memory_space<hbm>>
        tpu.wait_dma2 semaphore(%run_scoped3A : memref<!tpu.dma_semaphore, #tpu.memory_space<semaphore_mem>>) src(%dma_wait3A_57 : memref<128xi32, #tpu.memory_space<hbm>>) dst(%arg6 : memref<128xi32, #tpu.memory_space<vmem>>)
        tpu.yield
      }) : () -> ()
      "tpu.region"() ({
        %run_scoped3A = tpu.sem_alloc : memref<!tpu.dma_semaphore, #tpu.memory_space<semaphore_mem>>
        %dma_start3A_54 = tpu.memref_slice %arg4[%add3A_48] : memref<323584xi32, #tpu.memory_space<hbm>> -> memref<128xi32, #tpu.memory_space<hbm>>
        %dma_start3A_55 = tpu.memref_slice %arg4[%add3A_48] : memref<323584xi32, #tpu.memory_space<hbm>> -> memref<128xi32, #tpu.memory_space<hbm>>
        tpu.enqueue_dma source(%dma_start3A_55 : memref<128xi32, #tpu.memory_space<hbm>>) target(%arg7 : memref<128xi32, #tpu.memory_space<vmem>>) target_semaphore(%run_scoped3A : memref<!tpu.dma_semaphore, #tpu.memory_space<semaphore_mem>>)
        %dma_wait3A_56 = tpu.memref_slice %arg4[%add3A_48] : memref<323584xi32, #tpu.memory_space<hbm>> -> memref<128xi32, #tpu.memory_space<hbm>>
        %dma_wait3A_57 = tpu.memref_slice %arg4[%add3A_48] : memref<323584xi32, #tpu.memory_space<hbm>> -> memref<128xi32, #tpu.memory_space<hbm>>
        tpu.wait_dma2 semaphore(%run_scoped3A : memref<!tpu.dma_semaphore, #tpu.memory_space<semaphore_mem>>) src(%dma_wait3A_57 : memref<128xi32, #tpu.memory_space<hbm>>) dst(%arg7 : memref<128xi32, #tpu.memory_space<vmem>>)
        tpu.yield
      }) : () -> ()
      %dma_start3A = arith.constant 0 : i32
      %dma_start3A_49 = arith.constant 0 : i32
      %dma_start3A_50 = tpu.memref_slice %arg2[%dma_start3A, %dma_start3A_49] : memref<10000x128xf32, #tpu.memory_space<hbm>> -> memref<10000x128xf32, #tpu.memory_space<hbm>>
      tpu.enqueue_indirect_dma source(%dma_start3A_50 : memref<10000x128xf32, #tpu.memory_space<hbm>>) target(%arg8 : memref<128x128xf32, #tpu.memory_space<vmem>>) offsets(%arg6 : memref<128xi32, #tpu.memory_space<vmem>>) semaphore(%arg10 : memref<!tpu.dma_semaphore, #tpu.memory_space<semaphore_mem>>)
      %dma_wait3A = arith.constant 0 : i32
      %dma_wait3A_51 = arith.constant 0 : i32
      %dma_wait3A_52 = tpu.memref_slice %arg2[%dma_wait3A, %dma_wait3A_51] : memref<10000x128xf32, #tpu.memory_space<hbm>> -> memref<10000x128xf32, #tpu.memory_space<hbm>>
      tpu.wait_indirect_dma semaphore(%arg10 : memref<!tpu.dma_semaphore, #tpu.memory_space<semaphore_mem>>) src(%dma_wait3A_52 : memref<10000x128xf32, #tpu.memory_space<hbm>>) dst(%arg8 : memref<128x128xf32, #tpu.memory_space<vmem>>)
      "tpu.region"() ({
        %run_scoped3A = tpu.sem_alloc : memref<!tpu.dma_semaphore, #tpu.memory_space<semaphore_mem>>
        %dma_start3A_54 = arith.constant 0 : i32
        %dma_start3A_55 = arith.constant 0 : i32
        %dma_start3A_56 = tpu.memref_slice %arg9[%dma_start3A_54, %dma_start3A_55] : memref<10112x128xf32, #tpu.memory_space<vmem_shared>> -> memref<10112x128xf32, #tpu.memory_space<vmem_shared>>
        tpu.enqueue_indirect_dma source(%arg8 : memref<128x128xf32, #tpu.memory_space<vmem>>) target(%dma_start3A_56 : memref<10112x128xf32, #tpu.memory_space<vmem_shared>>) offsets(%arg7 : memref<128xi32, #tpu.memory_space<vmem>>) semaphore(%run_scoped3A : memref<!tpu.dma_semaphore, #tpu.memory_space<semaphore_mem>>) {add = true}
        %dma_wait3A_57 = arith.constant 0 : i32
        %dma_wait3A_58 = arith.constant 0 : i32
        %dma_wait3A_59 = tpu.memref_slice %arg9[%dma_wait3A_57, %dma_wait3A_58] : memref<10112x128xf32, #tpu.memory_space<vmem_shared>> -> memref<10112x128xf32, #tpu.memory_space<vmem_shared>>
        tpu.wait_indirect_dma semaphore(%run_scoped3A : memref<!tpu.dma_semaphore, #tpu.memory_space<semaphore_mem>>) src(%arg8 : memref<128x128xf32, #tpu.memory_space<vmem>>) dst(%dma_wait3A_59 : memref<10112x128xf32, #tpu.memory_space<vmem_shared>>)
        tpu.yield
      }) : () -> ()
      %while3A_53 = arith.constant 0 : i32
      scf.yield %while3A_53 : i32
    }
    %barrier3A_38 = arith.constant 0 : index
    tpu.barrier barrier_id(%barrier3A_38)
    %mul3A_39 = arith.constant 624 : i32
    %mul3A_40 = arith.muli %arg1, %mul3A_39 : i32
    "tpu.region"() ({
      %run_scoped3A = tpu.sem_alloc : memref<!tpu.dma_semaphore, #tpu.memory_space<semaphore_mem>>
      %dma_start3A = arith.constant 0 : i32
      %dma_start3A_44 = tpu.memref_slice %arg5[%arg0, %mul3A_40, %dma_start3A] : memref<2x10000x128xf32, #tpu.memory_space<hbm>> -> memref<1x624x128xf32, #tpu.memory_space<hbm>>
      %dma_start3A_45 = tpu.memref_squeeze %dma_start3A_44 : memref<1x624x128xf32, #tpu.memory_space<hbm>> -> memref<624x128xf32, #tpu.memory_space<hbm>>
      %dma_start3A_46 = arith.constant 0 : i32
      %dma_start3A_47 = tpu.memref_slice %arg9[%mul3A_40, %dma_start3A_46] : memref<10112x128xf32, #tpu.memory_space<vmem_shared>> -> memref<624x128xf32, #tpu.memory_space<vmem_shared>>
      tpu.enqueue_dma source(%dma_start3A_47 : memref<624x128xf32, #tpu.memory_space<vmem_shared>>) target(%dma_start3A_45 : memref<624x128xf32, #tpu.memory_space<hbm>>) target_semaphore(%run_scoped3A : memref<!tpu.dma_semaphore, #tpu.memory_space<semaphore_mem>>)
      %dma_wait3A = arith.constant 0 : i32
      %dma_wait3A_48 = tpu.memref_slice %arg5[%arg0, %mul3A_40, %dma_wait3A] : memref<2x10000x128xf32, #tpu.memory_space<hbm>> -> memref<1x624x128xf32, #tpu.memory_space<hbm>>
      %dma_wait3A_49 = tpu.memref_squeeze %dma_wait3A_48 : memref<1x624x128xf32, #tpu.memory_space<hbm>> -> memref<624x128xf32, #tpu.memory_space<hbm>>
      %dma_wait3A_50 = arith.constant 0 : i32
      %dma_wait3A_51 = tpu.memref_slice %arg9[%mul3A_40, %dma_wait3A_50] : memref<10112x128xf32, #tpu.memory_space<vmem_shared>> -> memref<624x128xf32, #tpu.memory_space<vmem_shared>>
      tpu.wait_dma2 semaphore(%run_scoped3A : memref<!tpu.dma_semaphore, #tpu.memory_space<semaphore_mem>>) src(%dma_wait3A_51 : memref<624x128xf32, #tpu.memory_space<vmem_shared>>) dst(%dma_wait3A_49 : memref<624x128xf32, #tpu.memory_space<hbm>>)
      tpu.yield
    }) : () -> ()
    %eq3A_41 = arith.constant 0 : i32
    %eq3A_42 = arith.cmpi eq, %arg1, %eq3A_41 : i32
    %convert_element_type3A = arith.extui %eq3A_42 : i1 to i32
    %cond3A = arith.constant 0 : i32
    %cond3A_43 = arith.cmpi ne, %convert_element_type3A, %cond3A : i32
    scf.if %cond3A_43 {
      "tpu.region"() ({
        %run_scoped3A = tpu.sem_alloc : memref<!tpu.dma_semaphore, #tpu.memory_space<semaphore_mem>>
        %dma_start3A = arith.constant 9984 : i32
        %dma_start3A_44 = arith.constant 0 : i32
        %dma_start3A_45 = tpu.memref_slice %arg5[%arg0, %dma_start3A, %dma_start3A_44] : memref<2x10000x128xf32, #tpu.memory_space<hbm>> -> memref<1x16x128xf32, #tpu.memory_space<hbm>>
        %dma_start3A_46 = tpu.memref_squeeze %dma_start3A_45 : memref<1x16x128xf32, #tpu.memory_space<hbm>> -> memref<16x128xf32, #tpu.memory_space<hbm>>
        %dma_start3A_47 = arith.constant 9984 : i32
        %dma_start3A_48 = arith.constant 0 : i32
        %dma_start3A_49 = tpu.memref_slice %arg9[%dma_start3A_47, %dma_start3A_48] : memref<10112x128xf32, #tpu.memory_space<vmem_shared>> -> memref<16x128xf32, #tpu.memory_space<vmem_shared>>
        tpu.enqueue_dma source(%dma_start3A_49 : memref<16x128xf32, #tpu.memory_space<vmem_shared>>) target(%dma_start3A_46 : memref<16x128xf32, #tpu.memory_space<hbm>>) target_semaphore(%run_scoped3A : memref<!tpu.dma_semaphore, #tpu.memory_space<semaphore_mem>>)
        %dma_wait3A = arith.constant 9984 : i32
        %dma_wait3A_50 = arith.constant 0 : i32
        %dma_wait3A_51 = tpu.memref_slice %arg5[%arg0, %dma_wait3A, %dma_wait3A_50] : memref<2x10000x128xf32, #tpu.memory_space<hbm>> -> memref<1x16x128xf32, #tpu.memory_space<hbm>>
        %dma_wait3A_52 = tpu.memref_squeeze %dma_wait3A_51 : memref<1x16x128xf32, #tpu.memory_space<hbm>> -> memref<16x128xf32, #tpu.memory_space<hbm>>
        %dma_wait3A_53 = arith.constant 9984 : i32
        %dma_wait3A_54 = arith.constant 0 : i32
        %dma_wait3A_55 = tpu.memref_slice %arg9[%dma_wait3A_53, %dma_wait3A_54] : memref<10112x128xf32, #tpu.memory_space<vmem_shared>> -> memref<16x128xf32, #tpu.memory_space<vmem_shared>>
        tpu.wait_dma2 semaphore(%run_scoped3A : memref<!tpu.dma_semaphore, #tpu.memory_space<semaphore_mem>>) src(%dma_wait3A_55 : memref<16x128xf32, #tpu.memory_space<vmem_shared>>) dst(%dma_wait3A_52 : memref<16x128xf32, #tpu.memory_space<hbm>>)
        tpu.yield
      }) : () -> ()
    } else {
    }
    return
  }
}

#map = affine_map<(d0, d1) -> (0, 0)>
#map1 = affine_map<(d0, d1) -> (0)>
#map2 = affine_map<(d0, d1) -> (0, 0, 0)>
module attributes {stable_mosaic.version = 14 : i64} {
  func.func @_sc_agg_body(%arg0: i32, %arg1: i32, %arg2: memref<10000x128xf32, #tpu.memory_space<hbm>>, %arg3: memref<323584xi32, #tpu.memory_space<hbm>>, %arg4: memref<323584xi32, #tpu.memory_space<hbm>>, %arg5: memref<2x10000x128xf32, #tpu.memory_space<hbm>>, %arg6: memref<128xi32, #tpu.memory_space<vmem>>, %arg7: memref<128xi32, #tpu.memory_space<vmem>>, %arg8: memref<128x128xf32, #tpu.memory_space<vmem>>, %arg9: memref<10112x128xf32, #tpu.memory_space<vmem_shared>>, %arg10: memref<!tpu.dma_semaphore, #tpu.memory_space<semaphore_mem>>) attributes {dimension_semantics = [#tpu.dimension_semantics<core_parallel>, #tpu.dimension_semantics<subcore_parallel>], iteration_bounds = array<i64: 2, 16>, scalar_prefetch = 0 : i64, scratch_operands = 5 : i64, tpu.core_type = #tpu.core_type<sc_vector_subcore>, window_params = [{transform_indices = #map}, {transform_indices = #map1}, {transform_indices = #map1}, {transform_indices = #map2}]} {
    %scan3A = arith.constant 0 : i32
    %scan3A_0 = arith.constant 0 : i32
    %scan3A_1 = arith.constant 1024 : i32
    %scan3A_2 = arith.addi %scan3A_0, %scan3A_1 : i32
    %scan3A_3 = arith.constant 1 : i32
    %scan3A_4 = scf.for %scan3A_44 = %scan3A_0 to %scan3A_2 step %scan3A_3 iter_args(%scan3A_45 = %scan3A) -> (i32)  : i32 {
      %broadcast_in_dim3A = arith.constant 0.000000e+00 : f32
      %broadcast_in_dim3A_46 = vector.broadcast %broadcast_in_dim3A : f32 to vector<16xf32>
      %jit3A_47 = arith.constant 8 : i32
      %div3A = arith.divsi %scan3A_44, %jit3A_47 : i32
      %sign3A = arith.constant 0 : i32
      %sign3A_48 = arith.cmpi sgt, %scan3A_44, %sign3A : i32
      %sign3A_49 = arith.extui %sign3A_48 : i1 to i32
      %sign3A_50 = arith.constant 0 : i32
      %sign3A_51 = arith.cmpi slt, %scan3A_44, %sign3A_50 : i32
      %sign3A_52 = arith.extui %sign3A_51 : i1 to i32
      %sign3A_53 = arith.subi %sign3A_49, %sign3A_52 : i32
      %sign3A_54 = arith.constant 0 : i32
      %sign3A_55 = arith.cmpi sgt, %jit3A_47, %sign3A_54 : i32
      %sign3A_56 = arith.extui %sign3A_55 : i1 to i32
      %sign3A_57 = arith.constant 0 : i32
      %sign3A_58 = arith.cmpi slt, %jit3A_47, %sign3A_57 : i32
      %sign3A_59 = arith.extui %sign3A_58 : i1 to i32
      %sign3A_60 = arith.subi %sign3A_56, %sign3A_59 : i32
      %ne3A = arith.cmpi ne, %sign3A_53, %sign3A_60 : i32
      %rem3A = arith.remsi %scan3A_44, %jit3A_47 : i32
      %ne3A_61 = arith.constant 0 : i32
      %ne3A_62 = arith.cmpi ne, %rem3A, %ne3A_61 : i32
      %and3A = arith.andi %ne3A, %ne3A_62 : i1
      %sub3A = arith.constant 1 : i32
      %sub3A_63 = arith.subi %div3A, %sub3A : i32
      %select_n3A_64 = arith.select %and3A, %sub3A_63, %div3A : i32
      %jit3A_65 = arith.constant 8 : i32
      %eq3A_66 = arith.constant 0 : i32
      %eq3A_67 = arith.cmpi eq, %jit3A_65, %eq3A_66 : i32
      %jit3A_68 = arith.constant 1 : i32
      %select_n3A_69 = arith.select %eq3A_67, %jit3A_68, %jit3A_65 : i32
      %rem3A_70 = arith.remsi %scan3A_44, %select_n3A_69 : i32
      %ne3A_71 = arith.constant 0 : i32
      %ne3A_72 = arith.cmpi ne, %rem3A_70, %ne3A_71 : i32
      %lt3A = arith.constant 0 : i32
      %lt3A_73 = arith.cmpi slt, %rem3A_70, %lt3A : i32
      %lt3A_74 = arith.constant 0 : i32
      %lt3A_75 = arith.cmpi slt, %select_n3A_69, %lt3A_74 : i32
      %ne3A_76 = arith.xori %lt3A_73, %lt3A_75 : i1
      %and3A_77 = arith.andi %ne3A_76, %ne3A_72 : i1
      %add3A_78 = arith.addi %rem3A_70, %select_n3A_69 : i32
      %select_n3A_79 = arith.select %and3A_77, %add3A_78, %rem3A_70 : i32
      %mul3A_80 = arith.constant 16 : i32
      %mul3A_81 = arith.muli %select_n3A_79, %mul3A_80 : i32
      %swap3A = arith.index_cast %select_n3A_64 : i32 to index
      %swap3A_82 = arith.index_cast %mul3A_81 : i32 to index
      %swap3A_83 = tpu.vector_load %arg8[%swap3A, %swap3A_82] {strides = array<i32>} : memref<128x128xf32, #tpu.memory_space<vmem>>, vector<1x16xf32>,
      %swap3A_84 = vector.shape_cast %swap3A_83 : vector<1x16xf32> to vector<16xf32>
      %swap3A_85 = vector.shape_cast %broadcast_in_dim3A_46 : vector<16xf32> to vector<1x16xf32>
      tpu.vector_store %arg8[%swap3A, %swap3A_82], %swap3A_85 {strides = array<i32>} : memref<128x128xf32, #tpu.memory_space<vmem>>, vector<1x16xf32>,
      %scan3A_86 = arith.constant 0 : i32
      scf.yield %scan3A_86 : i32
    }
    %scan3A_5 = arith.constant 1024 : i32
    %mul3A = arith.constant 632 : i32
    %mul3A_6 = arith.muli %arg1, %mul3A : i32
    %add3A = arith.constant 0 : i32
    %add3A_7 = arith.addi %mul3A_6, %add3A : i32
    "tpu.region"() ({
      %run_scoped3A = tpu.sem_alloc : memref<!tpu.dma_semaphore, #tpu.memory_space<semaphore_mem>>
      %dma_start3A = arith.constant 0 : i32
      %dma_start3A_44 = tpu.memref_slice %arg9[%add3A_7, %dma_start3A] : memref<10112x128xf32, #tpu.memory_space<vmem_shared>> -> memref<128x128xf32, #tpu.memory_space<vmem_shared>>
      %dma_start3A_45 = arith.constant 0 : i32
      %dma_start3A_46 = tpu.memref_slice %arg9[%add3A_7, %dma_start3A_45] : memref<10112x128xf32, #tpu.memory_space<vmem_shared>> -> memref<128x128xf32, #tpu.memory_space<vmem_shared>>
      tpu.enqueue_dma source(%arg8 : memref<128x128xf32, #tpu.memory_space<vmem>>) target(%dma_start3A_46 : memref<128x128xf32, #tpu.memory_space<vmem_shared>>) target_semaphore(%run_scoped3A : memref<!tpu.dma_semaphore, #tpu.memory_space<semaphore_mem>>)
      %dma_wait3A = arith.constant 0 : i32
      %dma_wait3A_47 = tpu.memref_slice %arg9[%add3A_7, %dma_wait3A] : memref<10112x128xf32, #tpu.memory_space<vmem_shared>> -> memref<128x128xf32, #tpu.memory_space<vmem_shared>>
      %dma_wait3A_48 = arith.constant 0 : i32
      %dma_wait3A_49 = tpu.memref_slice %arg9[%add3A_7, %dma_wait3A_48] : memref<10112x128xf32, #tpu.memory_space<vmem_shared>> -> memref<128x128xf32, #tpu.memory_space<vmem_shared>>
      tpu.wait_dma2 semaphore(%run_scoped3A : memref<!tpu.dma_semaphore, #tpu.memory_space<semaphore_mem>>) src(%arg8 : memref<128x128xf32, #tpu.memory_space<vmem>>) dst(%dma_wait3A_49 : memref<128x128xf32, #tpu.memory_space<vmem_shared>>)
      tpu.yield
    }) : () -> ()
    %add3A_8 = arith.constant 128 : i32
    %add3A_9 = arith.addi %mul3A_6, %add3A_8 : i32
    "tpu.region"() ({
      %run_scoped3A = tpu.sem_alloc : memref<!tpu.dma_semaphore, #tpu.memory_space<semaphore_mem>>
      %dma_start3A = arith.constant 0 : i32
      %dma_start3A_44 = tpu.memref_slice %arg9[%add3A_9, %dma_start3A] : memref<10112x128xf32, #tpu.memory_space<vmem_shared>> -> memref<128x128xf32, #tpu.memory_space<vmem_shared>>
      %dma_start3A_45 = arith.constant 0 : i32
      %dma_start3A_46 = tpu.memref_slice %arg9[%add3A_9, %dma_start3A_45] : memref<10112x128xf32, #tpu.memory_space<vmem_shared>> -> memref<128x128xf32, #tpu.memory_space<vmem_shared>>
      tpu.enqueue_dma source(%arg8 : memref<128x128xf32, #tpu.memory_space<vmem>>) target(%dma_start3A_46 : memref<128x128xf32, #tpu.memory_space<vmem_shared>>) target_semaphore(%run_scoped3A : memref<!tpu.dma_semaphore, #tpu.memory_space<semaphore_mem>>)
      %dma_wait3A = arith.constant 0 : i32
      %dma_wait3A_47 = tpu.memref_slice %arg9[%add3A_9, %dma_wait3A] : memref<10112x128xf32, #tpu.memory_space<vmem_shared>> -> memref<128x128xf32, #tpu.memory_space<vmem_shared>>
      %dma_wait3A_48 = arith.constant 0 : i32
      %dma_wait3A_49 = tpu.memref_slice %arg9[%add3A_9, %dma_wait3A_48] : memref<10112x128xf32, #tpu.memory_space<vmem_shared>> -> memref<128x128xf32, #tpu.memory_space<vmem_shared>>
      tpu.wait_dma2 semaphore(%run_scoped3A : memref<!tpu.dma_semaphore, #tpu.memory_space<semaphore_mem>>) src(%arg8 : memref<128x128xf32, #tpu.memory_space<vmem>>) dst(%dma_wait3A_49 : memref<128x128xf32, #tpu.memory_space<vmem_shared>>)
      tpu.yield
    }) : () -> ()
    %add3A_10 = arith.constant 256 : i32
    %add3A_11 = arith.addi %mul3A_6, %add3A_10 : i32
    "tpu.region"() ({
      %run_scoped3A = tpu.sem_alloc : memref<!tpu.dma_semaphore, #tpu.memory_space<semaphore_mem>>
      %dma_start3A = arith.constant 0 : i32
      %dma_start3A_44 = tpu.memref_slice %arg9[%add3A_11, %dma_start3A] : memref<10112x128xf32, #tpu.memory_space<vmem_shared>> -> memref<128x128xf32, #tpu.memory_space<vmem_shared>>
      %dma_start3A_45 = arith.constant 0 : i32
      %dma_start3A_46 = tpu.memref_slice %arg9[%add3A_11, %dma_start3A_45] : memref<10112x128xf32, #tpu.memory_space<vmem_shared>> -> memref<128x128xf32, #tpu.memory_space<vmem_shared>>
      tpu.enqueue_dma source(%arg8 : memref<128x128xf32, #tpu.memory_space<vmem>>) target(%dma_start3A_46 : memref<128x128xf32, #tpu.memory_space<vmem_shared>>) target_semaphore(%run_scoped3A : memref<!tpu.dma_semaphore, #tpu.memory_space<semaphore_mem>>)
      %dma_wait3A = arith.constant 0 : i32
      %dma_wait3A_47 = tpu.memref_slice %arg9[%add3A_11, %dma_wait3A] : memref<10112x128xf32, #tpu.memory_space<vmem_shared>> -> memref<128x128xf32, #tpu.memory_space<vmem_shared>>
      %dma_wait3A_48 = arith.constant 0 : i32
      %dma_wait3A_49 = tpu.memref_slice %arg9[%add3A_11, %dma_wait3A_48] : memref<10112x128xf32, #tpu.memory_space<vmem_shared>> -> memref<128x128xf32, #tpu.memory_space<vmem_shared>>
      tpu.wait_dma2 semaphore(%run_scoped3A : memref<!tpu.dma_semaphore, #tpu.memory_space<semaphore_mem>>) src(%arg8 : memref<128x128xf32, #tpu.memory_space<vmem>>) dst(%dma_wait3A_49 : memref<128x128xf32, #tpu.memory_space<vmem_shared>>)
      tpu.yield
    }) : () -> ()
    %add3A_12 = arith.constant 384 : i32
    %add3A_13 = arith.addi %mul3A_6, %add3A_12 : i32
    "tpu.region"() ({
      %run_scoped3A = tpu.sem_alloc : memref<!tpu.dma_semaphore, #tpu.memory_space<semaphore_mem>>
      %dma_start3A = arith.constant 0 : i32
      %dma_start3A_44 = tpu.memref_slice %arg9[%add3A_13, %dma_start3A] : memref<10112x128xf32, #tpu.memory_space<vmem_shared>> -> memref<128x128xf32, #tpu.memory_space<vmem_shared>>
      %dma_start3A_45 = arith.constant 0 : i32
      %dma_start3A_46 = tpu.memref_slice %arg9[%add3A_13, %dma_start3A_45] : memref<10112x128xf32, #tpu.memory_space<vmem_shared>> -> memref<128x128xf32, #tpu.memory_space<vmem_shared>>
      tpu.enqueue_dma source(%arg8 : memref<128x128xf32, #tpu.memory_space<vmem>>) target(%dma_start3A_46 : memref<128x128xf32, #tpu.memory_space<vmem_shared>>) target_semaphore(%run_scoped3A : memref<!tpu.dma_semaphore, #tpu.memory_space<semaphore_mem>>)
      %dma_wait3A = arith.constant 0 : i32
      %dma_wait3A_47 = tpu.memref_slice %arg9[%add3A_13, %dma_wait3A] : memref<10112x128xf32, #tpu.memory_space<vmem_shared>> -> memref<128x128xf32, #tpu.memory_space<vmem_shared>>
      %dma_wait3A_48 = arith.constant 0 : i32
      %dma_wait3A_49 = tpu.memref_slice %arg9[%add3A_13, %dma_wait3A_48] : memref<10112x128xf32, #tpu.memory_space<vmem_shared>> -> memref<128x128xf32, #tpu.memory_space<vmem_shared>>
      tpu.wait_dma2 semaphore(%run_scoped3A : memref<!tpu.dma_semaphore, #tpu.memory_space<semaphore_mem>>) src(%arg8 : memref<128x128xf32, #tpu.memory_space<vmem>>) dst(%dma_wait3A_49 : memref<128x128xf32, #tpu.memory_space<vmem_shared>>)
      tpu.yield
    }) : () -> ()
    %add3A_14 = arith.constant 512 : i32
    %add3A_15 = arith.addi %mul3A_6, %add3A_14 : i32
    "tpu.region"() ({
      %run_scoped3A = tpu.sem_alloc : memref<!tpu.dma_semaphore, #tpu.memory_space<semaphore_mem>>
      %dma_start3A = arith.constant 0 : i32
      %dma_start3A_44 = arith.constant 0 : i32
      %dma_start3A_45 = tpu.memref_slice %arg8[%dma_start3A, %dma_start3A_44] : memref<128x128xf32, #tpu.memory_space<vmem>> -> memref<120x128xf32, #tpu.memory_space<vmem>>
      %dma_start3A_46 = arith.constant 0 : i32
      %dma_start3A_47 = tpu.memref_slice %arg9[%add3A_15, %dma_start3A_46] : memref<10112x128xf32, #tpu.memory_space<vmem_shared>> -> memref<120x128xf32, #tpu.memory_space<vmem_shared>>
      %dma_start3A_48 = arith.constant 0 : i32
      %dma_start3A_49 = tpu.memref_slice %arg9[%add3A_15, %dma_start3A_48] : memref<10112x128xf32, #tpu.memory_space<vmem_shared>> -> memref<120x128xf32, #tpu.memory_space<vmem_shared>>
      %dma_start3A_50 = arith.constant 0 : i32
      %dma_start3A_51 = arith.constant 0 : i32
      %dma_start3A_52 = tpu.memref_slice %arg8[%dma_start3A_50, %dma_start3A_51] : memref<128x128xf32, #tpu.memory_space<vmem>> -> memref<120x128xf32, #tpu.memory_space<vmem>>
      tpu.enqueue_dma source(%dma_start3A_52 : memref<120x128xf32, #tpu.memory_space<vmem>>) target(%dma_start3A_49 : memref<120x128xf32, #tpu.memory_space<vmem_shared>>) target_semaphore(%run_scoped3A : memref<!tpu.dma_semaphore, #tpu.memory_space<semaphore_mem>>)
      %dma_wait3A = arith.constant 0 : i32
      %dma_wait3A_53 = arith.constant 0 : i32
      %dma_wait3A_54 = tpu.memref_slice %arg8[%dma_wait3A, %dma_wait3A_53] : memref<128x128xf32, #tpu.memory_space<vmem>> -> memref<120x128xf32, #tpu.memory_space<vmem>>
      %dma_wait3A_55 = arith.constant 0 : i32
      %dma_wait3A_56 = tpu.memref_slice %arg9[%add3A_15, %dma_wait3A_55] : memref<10112x128xf32, #tpu.memory_space<vmem_shared>> -> memref<120x128xf32, #tpu.memory_space<vmem_shared>>
      %dma_wait3A_57 = arith.constant 0 : i32
      %dma_wait3A_58 = tpu.memref_slice %arg9[%add3A_15, %dma_wait3A_57] : memref<10112x128xf32, #tpu.memory_space<vmem_shared>> -> memref<120x128xf32, #tpu.memory_space<vmem_shared>>
      %dma_wait3A_59 = arith.constant 0 : i32
      %dma_wait3A_60 = arith.constant 0 : i32
      %dma_wait3A_61 = tpu.memref_slice %arg8[%dma_wait3A_59, %dma_wait3A_60] : memref<128x128xf32, #tpu.memory_space<vmem>> -> memref<120x128xf32, #tpu.memory_space<vmem>>
      tpu.wait_dma2 semaphore(%run_scoped3A : memref<!tpu.dma_semaphore, #tpu.memory_space<semaphore_mem>>) src(%dma_wait3A_61 : memref<120x128xf32, #tpu.memory_space<vmem>>) dst(%dma_wait3A_58 : memref<120x128xf32, #tpu.memory_space<vmem_shared>>)
      tpu.yield
    }) : () -> ()
    %barrier3A = arith.constant 0 : index
    tpu.barrier barrier_id(%barrier3A)
    %eq3A = arith.constant 0 : i32
    %eq3A_16 = arith.cmpi eq, %arg0, %eq3A : i32
    %mul3A_17 = arith.constant 12800 : i32
    %mul3A_18 = arith.muli %arg1, %mul3A_17 : i32
    %mul3A_19 = arith.constant 7424 : i32
    %mul3A_20 = arith.muli %arg1, %mul3A_19 : i32
    %add3A_21 = arith.constant 204800 : i32
    %add3A_22 = arith.addi %add3A_21, %mul3A_20 : i32
    %select_n3A = arith.select %eq3A_16, %mul3A_18, %add3A_22 : i32
    %eq3A_23 = arith.constant 0 : i32
    %eq3A_24 = arith.cmpi eq, %arg0, %eq3A_23 : i32
    %jit3A = arith.constant 100 : i32
    %jit3A_25 = arith.constant 58 : i32
    %select_n3A_26 = arith.select %eq3A_24, %jit3A, %jit3A_25 : i32
    %while3A = arith.constant 0 : i32
    %while3A_27 = arith.constant 0 : i32
    %while3A_28 = arith.subi %select_n3A_26, %while3A : i32
    %while3A_29 = arith.addi %while3A, %while3A_28 : i32
    %while3A_30 = arith.constant 1 : i32
    %while3A_31 = arith.divsi %while3A_28, %while3A_30 : i32
    %while3A_32 = arith.muli %while3A_31, %while3A_30 : i32
    %while3A_33 = arith.addi %while3A, %while3A_32 : i32
    %while3A_34 = arith.constant 1 : i32
    %while3A_35 = scf.for %while3A_44 = %while3A to %while3A_33 step %while3A_34 iter_args(%while3A_45 = %while3A_27) -> (i32)  : i32 {
      %mul3A_46 = arith.constant 128 : i32
      %mul3A_47 = arith.muli %while3A_44, %mul3A_46 : i32
      %add3A_48 = arith.addi %select_n3A, %mul3A_47 : i32
      "tpu.region"() ({
        %run_scoped3A = tpu.sem_alloc : memref<!tpu.dma_semaphore, #tpu.memory_space<semaphore_mem>>
        %dma_start3A_54 = tpu.memref_slice %arg3[%add3A_48] : memref<323584xi32, #tpu.memory_space<hbm>> -> memref<128xi32, #tpu.memory_space<hbm>>
        %dma_start3A_55 = tpu.memref_slice %arg3[%add3A_48] : memref<323584xi32, #tpu.memory_space<hbm>> -> memref<128xi32, #tpu.memory_space<hbm>>
        tpu.enqueue_dma source(%dma_start3A_55 : memref<128xi32, #tpu.memory_space<hbm>>) target(%arg6 : memref<128xi32, #tpu.memory_space<vmem>>) target_semaphore(%run_scoped3A : memref<!tpu.dma_semaphore, #tpu.memory_space<semaphore_mem>>)
        %dma_wait3A_56 = tpu.memref_slice %arg3[%add3A_48] : memref<323584xi32, #tpu.memory_space<hbm>> -> memref<128xi32, #tpu.memory_space<hbm>>
        %dma_wait3A_57 = tpu.memref_slice %arg3[%add3A_48] : memref<323584xi32, #tpu.memory_space<hbm>> -> memref<128xi32, #tpu.memory_space<hbm>>
        tpu.wait_dma2 semaphore(%run_scoped3A : memref<!tpu.dma_semaphore, #tpu.memory_space<semaphore_mem>>) src(%dma_wait3A_57 : memref<128xi32, #tpu.memory_space<hbm>>) dst(%arg6 : memref<128xi32, #tpu.memory_space<vmem>>)
        tpu.yield
      }) : () -> ()
      "tpu.region"() ({
        %run_scoped3A = tpu.sem_alloc : memref<!tpu.dma_semaphore, #tpu.memory_space<semaphore_mem>>
        %dma_start3A_54 = tpu.memref_slice %arg4[%add3A_48] : memref<323584xi32, #tpu.memory_space<hbm>> -> memref<128xi32, #tpu.memory_space<hbm>>
        %dma_start3A_55 = tpu.memref_slice %arg4[%add3A_48] : memref<323584xi32, #tpu.memory_space<hbm>> -> memref<128xi32, #tpu.memory_space<hbm>>
        tpu.enqueue_dma source(%dma_start3A_55 : memref<128xi32, #tpu.memory_space<hbm>>) target(%arg7 : memref<128xi32, #tpu.memory_space<vmem>>) target_semaphore(%run_scoped3A : memref<!tpu.dma_semaphore, #tpu.memory_space<semaphore_mem>>)
        %dma_wait3A_56 = tpu.memref_slice %arg4[%add3A_48] : memref<323584xi32, #tpu.memory_space<hbm>> -> memref<128xi32, #tpu.memory_space<hbm>>
        %dma_wait3A_57 = tpu.memref_slice %arg4[%add3A_48] : memref<323584xi32, #tpu.memory_space<hbm>> -> memref<128xi32, #tpu.memory_space<hbm>>
        tpu.wait_dma2 semaphore(%run_scoped3A : memref<!tpu.dma_semaphore, #tpu.memory_space<semaphore_mem>>) src(%dma_wait3A_57 : memref<128xi32, #tpu.memory_space<hbm>>) dst(%arg7 : memref<128xi32, #tpu.memory_space<vmem>>)
        tpu.yield
      }) : () -> ()
      %dma_start3A = arith.constant 0 : i32
      %dma_start3A_49 = arith.constant 0 : i32
      %dma_start3A_50 = tpu.memref_slice %arg2[%dma_start3A, %dma_start3A_49] : memref<10000x128xf32, #tpu.memory_space<hbm>> -> memref<10000x128xf32, #tpu.memory_space<hbm>>
      tpu.enqueue_indirect_dma source(%dma_start3A_50 : memref<10000x128xf32, #tpu.memory_space<hbm>>) target(%arg8 : memref<128x128xf32, #tpu.memory_space<vmem>>) offsets(%arg6 : memref<128xi32, #tpu.memory_space<vmem>>) semaphore(%arg10 : memref<!tpu.dma_semaphore, #tpu.memory_space<semaphore_mem>>)
      %dma_wait3A = arith.constant 0 : i32
      %dma_wait3A_51 = arith.constant 0 : i32
      %dma_wait3A_52 = tpu.memref_slice %arg2[%dma_wait3A, %dma_wait3A_51] : memref<10000x128xf32, #tpu.memory_space<hbm>> -> memref<10000x128xf32, #tpu.memory_space<hbm>>
      tpu.wait_indirect_dma semaphore(%arg10 : memref<!tpu.dma_semaphore, #tpu.memory_space<semaphore_mem>>) src(%dma_wait3A_52 : memref<10000x128xf32, #tpu.memory_space<hbm>>) dst(%arg8 : memref<128x128xf32, #tpu.memory_space<vmem>>)
      "tpu.region"() ({
        %run_scoped3A = tpu.sem_alloc : memref<!tpu.dma_semaphore, #tpu.memory_space<semaphore_mem>>
        %dma_start3A_54 = arith.constant 0 : i32
        %dma_start3A_55 = arith.constant 0 : i32
        %dma_start3A_56 = tpu.memref_slice %arg9[%dma_start3A_54, %dma_start3A_55] : memref<10112x128xf32, #tpu.memory_space<vmem_shared>> -> memref<10112x128xf32, #tpu.memory_space<vmem_shared>>
        tpu.enqueue_indirect_dma source(%arg8 : memref<128x128xf32, #tpu.memory_space<vmem>>) target(%dma_start3A_56 : memref<10112x128xf32, #tpu.memory_space<vmem_shared>>) offsets(%arg7 : memref<128xi32, #tpu.memory_space<vmem>>) semaphore(%run_scoped3A : memref<!tpu.dma_semaphore, #tpu.memory_space<semaphore_mem>>) {add = true}
        %dma_wait3A_57 = arith.constant 0 : i32
        %dma_wait3A_58 = arith.constant 0 : i32
        %dma_wait3A_59 = tpu.memref_slice %arg9[%dma_wait3A_57, %dma_wait3A_58] : memref<10112x128xf32, #tpu.memory_space<vmem_shared>> -> memref<10112x128xf32, #tpu.memory_space<vmem_shared>>
        tpu.wait_indirect_dma semaphore(%run_scoped3A : memref<!tpu.dma_semaphore, #tpu.memory_space<semaphore_mem>>) src(%arg8 : memref<128x128xf32, #tpu.memory_space<vmem>>) dst(%dma_wait3A_59 : memref<10112x128xf32, #tpu.memory_space<vmem_shared>>)
        tpu.yield
      }) : () -> ()
      %while3A_53 = arith.constant 0 : i32
      scf.yield %while3A_53 : i32
    }
    %while3A_36 = arith.constant 1 : i32
    %while3A_37 = scf.for %while3A_44 = %while3A_33 to %while3A_29 step %while3A_36 iter_args(%while3A_45 = %while3A_35) -> (i32)  : i32 {
      %mul3A_46 = arith.constant 128 : i32
      %mul3A_47 = arith.muli %while3A_44, %mul3A_46 : i32
      %add3A_48 = arith.addi %select_n3A, %mul3A_47 : i32
      "tpu.region"() ({
        %run_scoped3A = tpu.sem_alloc : memref<!tpu.dma_semaphore, #tpu.memory_space<semaphore_mem>>
        %dma_start3A_54 = tpu.memref_slice %arg3[%add3A_48] : memref<323584xi32, #tpu.memory_space<hbm>> -> memref<128xi32, #tpu.memory_space<hbm>>
        %dma_start3A_55 = tpu.memref_slice %arg3[%add3A_48] : memref<323584xi32, #tpu.memory_space<hbm>> -> memref<128xi32, #tpu.memory_space<hbm>>
        tpu.enqueue_dma source(%dma_start3A_55 : memref<128xi32, #tpu.memory_space<hbm>>) target(%arg6 : memref<128xi32, #tpu.memory_space<vmem>>) target_semaphore(%run_scoped3A : memref<!tpu.dma_semaphore, #tpu.memory_space<semaphore_mem>>)
        %dma_wait3A_56 = tpu.memref_slice %arg3[%add3A_48] : memref<323584xi32, #tpu.memory_space<hbm>> -> memref<128xi32, #tpu.memory_space<hbm>>
        %dma_wait3A_57 = tpu.memref_slice %arg3[%add3A_48] : memref<323584xi32, #tpu.memory_space<hbm>> -> memref<128xi32, #tpu.memory_space<hbm>>
        tpu.wait_dma2 semaphore(%run_scoped3A : memref<!tpu.dma_semaphore, #tpu.memory_space<semaphore_mem>>) src(%dma_wait3A_57 : memref<128xi32, #tpu.memory_space<hbm>>) dst(%arg6 : memref<128xi32, #tpu.memory_space<vmem>>)
        tpu.yield
      }) : () -> ()
      "tpu.region"() ({
        %run_scoped3A = tpu.sem_alloc : memref<!tpu.dma_semaphore, #tpu.memory_space<semaphore_mem>>
        %dma_start3A_54 = tpu.memref_slice %arg4[%add3A_48] : memref<323584xi32, #tpu.memory_space<hbm>> -> memref<128xi32, #tpu.memory_space<hbm>>
        %dma_start3A_55 = tpu.memref_slice %arg4[%add3A_48] : memref<323584xi32, #tpu.memory_space<hbm>> -> memref<128xi32, #tpu.memory_space<hbm>>
        tpu.enqueue_dma source(%dma_start3A_55 : memref<128xi32, #tpu.memory_space<hbm>>) target(%arg7 : memref<128xi32, #tpu.memory_space<vmem>>) target_semaphore(%run_scoped3A : memref<!tpu.dma_semaphore, #tpu.memory_space<semaphore_mem>>)
        %dma_wait3A_56 = tpu.memref_slice %arg4[%add3A_48] : memref<323584xi32, #tpu.memory_space<hbm>> -> memref<128xi32, #tpu.memory_space<hbm>>
        %dma_wait3A_57 = tpu.memref_slice %arg4[%add3A_48] : memref<323584xi32, #tpu.memory_space<hbm>> -> memref<128xi32, #tpu.memory_space<hbm>>
        tpu.wait_dma2 semaphore(%run_scoped3A : memref<!tpu.dma_semaphore, #tpu.memory_space<semaphore_mem>>) src(%dma_wait3A_57 : memref<128xi32, #tpu.memory_space<hbm>>) dst(%arg7 : memref<128xi32, #tpu.memory_space<vmem>>)
        tpu.yield
      }) : () -> ()
      %dma_start3A = arith.constant 0 : i32
      %dma_start3A_49 = arith.constant 0 : i32
      %dma_start3A_50 = tpu.memref_slice %arg2[%dma_start3A, %dma_start3A_49] : memref<10000x128xf32, #tpu.memory_space<hbm>> -> memref<10000x128xf32, #tpu.memory_space<hbm>>
      tpu.enqueue_indirect_dma source(%dma_start3A_50 : memref<10000x128xf32, #tpu.memory_space<hbm>>) target(%arg8 : memref<128x128xf32, #tpu.memory_space<vmem>>) offsets(%arg6 : memref<128xi32, #tpu.memory_space<vmem>>) semaphore(%arg10 : memref<!tpu.dma_semaphore, #tpu.memory_space<semaphore_mem>>)
      %dma_wait3A = arith.constant 0 : i32
      %dma_wait3A_51 = arith.constant 0 : i32
      %dma_wait3A_52 = tpu.memref_slice %arg2[%dma_wait3A, %dma_wait3A_51] : memref<10000x128xf32, #tpu.memory_space<hbm>> -> memref<10000x128xf32, #tpu.memory_space<hbm>>
      tpu.wait_indirect_dma semaphore(%arg10 : memref<!tpu.dma_semaphore, #tpu.memory_space<semaphore_mem>>) src(%dma_wait3A_52 : memref<10000x128xf32, #tpu.memory_space<hbm>>) dst(%arg8 : memref<128x128xf32, #tpu.memory_space<vmem>>)
      "tpu.region"() ({
        %run_scoped3A = tpu.sem_alloc : memref<!tpu.dma_semaphore, #tpu.memory_space<semaphore_mem>>
        %dma_start3A_54 = arith.constant 0 : i32
        %dma_start3A_55 = arith.constant 0 : i32
        %dma_start3A_56 = tpu.memref_slice %arg9[%dma_start3A_54, %dma_start3A_55] : memref<10112x128xf32, #tpu.memory_space<vmem_shared>> -> memref<10112x128xf32, #tpu.memory_space<vmem_shared>>
        tpu.enqueue_indirect_dma source(%arg8 : memref<128x128xf32, #tpu.memory_space<vmem>>) target(%dma_start3A_56 : memref<10112x128xf32, #tpu.memory_space<vmem_shared>>) offsets(%arg7 : memref<128xi32, #tpu.memory_space<vmem>>) semaphore(%run_scoped3A : memref<!tpu.dma_semaphore, #tpu.memory_space<semaphore_mem>>) {add = true}
        %dma_wait3A_57 = arith.constant 0 : i32
        %dma_wait3A_58 = arith.constant 0 : i32
        %dma_wait3A_59 = tpu.memref_slice %arg9[%dma_wait3A_57, %dma_wait3A_58] : memref<10112x128xf32, #tpu.memory_space<vmem_shared>> -> memref<10112x128xf32, #tpu.memory_space<vmem_shared>>
        tpu.wait_indirect_dma semaphore(%run_scoped3A : memref<!tpu.dma_semaphore, #tpu.memory_space<semaphore_mem>>) src(%arg8 : memref<128x128xf32, #tpu.memory_space<vmem>>) dst(%dma_wait3A_59 : memref<10112x128xf32, #tpu.memory_space<vmem_shared>>)
        tpu.yield
      }) : () -> ()
      %while3A_53 = arith.constant 0 : i32
      scf.yield %while3A_53 : i32
    }
    %barrier3A_38 = arith.constant 0 : index
    tpu.barrier barrier_id(%barrier3A_38)
    %mul3A_39 = arith.constant 624 : i32
    %mul3A_40 = arith.muli %arg1, %mul3A_39 : i32
    "tpu.region"() ({
      %run_scoped3A = tpu.sem_alloc : memref<!tpu.dma_semaphore, #tpu.memory_space<semaphore_mem>>
      %dma_start3A = arith.constant 0 : i32
      %dma_start3A_44 = tpu.memref_slice %arg5[%arg0, %mul3A_40, %dma_start3A] : memref<2x10000x128xf32, #tpu.memory_space<hbm>> -> memref<1x624x128xf32, #tpu.memory_space<hbm>>
      %dma_start3A_45 = tpu.memref_squeeze %dma_start3A_44 : memref<1x624x128xf32, #tpu.memory_space<hbm>> -> memref<624x128xf32, #tpu.memory_space<hbm>>
      %dma_start3A_46 = arith.constant 0 : i32
      %dma_start3A_47 = tpu.memref_slice %arg9[%mul3A_40, %dma_start3A_46] : memref<10112x128xf32, #tpu.memory_space<vmem_shared>> -> memref<624x128xf32, #tpu.memory_space<vmem_shared>>
      tpu.enqueue_dma source(%dma_start3A_47 : memref<624x128xf32, #tpu.memory_space<vmem_shared>>) target(%dma_start3A_45 : memref<624x128xf32, #tpu.memory_space<hbm>>) target_semaphore(%run_scoped3A : memref<!tpu.dma_semaphore, #tpu.memory_space<semaphore_mem>>)
      %dma_wait3A = arith.constant 0 : i32
      %dma_wait3A_48 = tpu.memref_slice %arg5[%arg0, %mul3A_40, %dma_wait3A] : memref<2x10000x128xf32, #tpu.memory_space<hbm>> -> memref<1x624x128xf32, #tpu.memory_space<hbm>>
      %dma_wait3A_49 = tpu.memref_squeeze %dma_wait3A_48 : memref<1x624x128xf32, #tpu.memory_space<hbm>> -> memref<624x128xf32, #tpu.memory_space<hbm>>
      %dma_wait3A_50 = arith.constant 0 : i32
      %dma_wait3A_51 = tpu.memref_slice %arg9[%mul3A_40, %dma_wait3A_50] : memref<10112x128xf32, #tpu.memory_space<vmem_shared>> -> memref<624x128xf32, #tpu.memory_space<vmem_shared>>
      tpu.wait_dma2 semaphore(%run_scoped3A : memref<!tpu.dma_semaphore, #tpu.memory_space<semaphore_mem>>) src(%dma_wait3A_51 : memref<624x128xf32, #tpu.memory_space<vmem_shared>>) dst(%dma_wait3A_49 : memref<624x128xf32, #tpu.memory_space<hbm>>)
      tpu.yield
    }) : () -> ()
    %eq3A_41 = arith.constant 0 : i32
    %eq3A_42 = arith.cmpi eq, %arg1, %eq3A_41 : i32
    %convert_element_type3A = arith.extui %eq3A_42 : i1 to i32
    %cond3A = arith.constant 0 : i32
    %cond3A_43 = arith.cmpi ne, %convert_element_type3A, %cond3A : i32
    scf.if %cond3A_43 {
      "tpu.region"() ({
        %run_scoped3A = tpu.sem_alloc : memref<!tpu.dma_semaphore, #tpu.memory_space<semaphore_mem>>
        %dma_start3A = arith.constant 9984 : i32
        %dma_start3A_44 = arith.constant 0 : i32
        %dma_start3A_45 = tpu.memref_slice %arg5[%arg0, %dma_start3A, %dma_start3A_44] : memref<2x10000x128xf32, #tpu.memory_space<hbm>> -> memref<1x16x128xf32, #tpu.memory_space<hbm>>
        %dma_start3A_46 = tpu.memref_squeeze %dma_start3A_45 : memref<1x16x128xf32, #tpu.memory_space<hbm>> -> memref<16x128xf32, #tpu.memory_space<hbm>>
        %dma_start3A_47 = arith.constant 9984 : i32
        %dma_start3A_48 = arith.constant 0 : i32
        %dma_start3A_49 = tpu.memref_slice %arg9[%dma_start3A_47, %dma_start3A_48] : memref<10112x128xf32, #tpu.memory_space<vmem_shared>> -> memref<16x128xf32, #tpu.memory_space<vmem_shared>>
        tpu.enqueue_dma source(%dma_start3A_49 : memref<16x128xf32, #tpu.memory_space<vmem_shared>>) target(%dma_start3A_46 : memref<16x128xf32, #tpu.memory_space<hbm>>) target_semaphore(%run_scoped3A : memref<!tpu.dma_semaphore, #tpu.memory_space<semaphore_mem>>)
        %dma_wait3A = arith.constant 9984 : i32
        %dma_wait3A_50 = arith.constant 0 : i32
        %dma_wait3A_51 = tpu.memref_slice %arg5[%arg0, %dma_wait3A, %dma_wait3A_50] : memref<2x10000x128xf32, #tpu.memory_space<hbm>> -> memref<1x16x128xf32, #tpu.memory_space<hbm>>
        %dma_wait3A_52 = tpu.memref_squeeze %dma_wait3A_51 : memref<1x16x128xf32, #tpu.memory_space<hbm>> -> memref<16x128xf32, #tpu.memory_space<hbm>>
        %dma_wait3A_53 = arith.constant 9984 : i32
        %dma_wait3A_54 = arith.constant 0 : i32
        %dma_wait3A_55 = tpu.memref_slice %arg9[%dma_wait3A_53, %dma_wait3A_54] : memref<10112x128xf32, #tpu.memory_space<vmem_shared>> -> memref<16x128xf32, #tpu.memory_space<vmem_shared>>
        tpu.wait_dma2 semaphore(%run_scoped3A : memref<!tpu.dma_semaphore, #tpu.memory_space<semaphore_mem>>) src(%dma_wait3A_55 : memref<16x128xf32, #tpu.memory_space<vmem_shared>>) dst(%dma_wait3A_52 : memref<16x128xf32, #tpu.memory_space<hbm>>)
        tpu.yield
      }) : () -> ()
    } else {
    }
    return
  }
}

#map = affine_map<(d0, d1) -> (0, 0)>
#map1 = affine_map<(d0, d1) -> (0)>
#map2 = affine_map<(d0, d1) -> (0, 0, 0)>
module attributes {stable_mosaic.version = 14 : i64} {
  func.func @_sc_agg_body(%arg0: i32, %arg1: i32, %arg2: memref<10000x128xf32, #tpu.memory_space<hbm>>, %arg3: memref<323584xi32, #tpu.memory_space<hbm>>, %arg4: memref<323584xi32, #tpu.memory_space<hbm>>, %arg5: memref<2x10000x128xf32, #tpu.memory_space<hbm>>, %arg6: memref<128xi32, #tpu.memory_space<vmem>>, %arg7: memref<128xi32, #tpu.memory_space<vmem>>, %arg8: memref<128x128xf32, #tpu.memory_space<vmem>>, %arg9: memref<10112x128xf32, #tpu.memory_space<vmem_shared>>, %arg10: memref<!tpu.dma_semaphore, #tpu.memory_space<semaphore_mem>>) attributes {dimension_semantics = [#tpu.dimension_semantics<core_parallel>, #tpu.dimension_semantics<subcore_parallel>], iteration_bounds = array<i64: 2, 16>, scalar_prefetch = 0 : i64, scratch_operands = 5 : i64, tpu.core_type = #tpu.core_type<sc_vector_subcore>, window_params = [{transform_indices = #map}, {transform_indices = #map1}, {transform_indices = #map1}, {transform_indices = #map2}]} {
    %scan3A = arith.constant 0 : i32
    %scan3A_0 = arith.constant 0 : i32
    %scan3A_1 = arith.constant 1024 : i32
    %scan3A_2 = arith.addi %scan3A_0, %scan3A_1 : i32
    %scan3A_3 = arith.constant 1 : i32
    %scan3A_4 = scf.for %scan3A_44 = %scan3A_0 to %scan3A_2 step %scan3A_3 iter_args(%scan3A_45 = %scan3A) -> (i32)  : i32 {
      %broadcast_in_dim3A = arith.constant 0.000000e+00 : f32
      %broadcast_in_dim3A_46 = vector.broadcast %broadcast_in_dim3A : f32 to vector<16xf32>
      %jit3A_47 = arith.constant 8 : i32
      %div3A = arith.divsi %scan3A_44, %jit3A_47 : i32
      %sign3A = arith.constant 0 : i32
      %sign3A_48 = arith.cmpi sgt, %scan3A_44, %sign3A : i32
      %sign3A_49 = arith.extui %sign3A_48 : i1 to i32
      %sign3A_50 = arith.constant 0 : i32
      %sign3A_51 = arith.cmpi slt, %scan3A_44, %sign3A_50 : i32
      %sign3A_52 = arith.extui %sign3A_51 : i1 to i32
      %sign3A_53 = arith.subi %sign3A_49, %sign3A_52 : i32
      %sign3A_54 = arith.constant 0 : i32
      %sign3A_55 = arith.cmpi sgt, %jit3A_47, %sign3A_54 : i32
      %sign3A_56 = arith.extui %sign3A_55 : i1 to i32
      %sign3A_57 = arith.constant 0 : i32
      %sign3A_58 = arith.cmpi slt, %jit3A_47, %sign3A_57 : i32
      %sign3A_59 = arith.extui %sign3A_58 : i1 to i32
      %sign3A_60 = arith.subi %sign3A_56, %sign3A_59 : i32
      %ne3A = arith.cmpi ne, %sign3A_53, %sign3A_60 : i32
      %rem3A = arith.remsi %scan3A_44, %jit3A_47 : i32
      %ne3A_61 = arith.constant 0 : i32
      %ne3A_62 = arith.cmpi ne, %rem3A, %ne3A_61 : i32
      %and3A = arith.andi %ne3A, %ne3A_62 : i1
      %sub3A = arith.constant 1 : i32
      %sub3A_63 = arith.subi %div3A, %sub3A : i32
      %select_n3A_64 = arith.select %and3A, %sub3A_63, %div3A : i32
      %jit3A_65 = arith.constant 8 : i32
      %eq3A_66 = arith.constant 0 : i32
      %eq3A_67 = arith.cmpi eq, %jit3A_65, %eq3A_66 : i32
      %jit3A_68 = arith.constant 1 : i32
      %select_n3A_69 = arith.select %eq3A_67, %jit3A_68, %jit3A_65 : i32
      %rem3A_70 = arith.remsi %scan3A_44, %select_n3A_69 : i32
      %ne3A_71 = arith.constant 0 : i32
      %ne3A_72 = arith.cmpi ne, %rem3A_70, %ne3A_71 : i32
      %lt3A = arith.constant 0 : i32
      %lt3A_73 = arith.cmpi slt, %rem3A_70, %lt3A : i32
      %lt3A_74 = arith.constant 0 : i32
      %lt3A_75 = arith.cmpi slt, %select_n3A_69, %lt3A_74 : i32
      %ne3A_76 = arith.xori %lt3A_73, %lt3A_75 : i1
      %and3A_77 = arith.andi %ne3A_76, %ne3A_72 : i1
      %add3A_78 = arith.addi %rem3A_70, %select_n3A_69 : i32
      %select_n3A_79 = arith.select %and3A_77, %add3A_78, %rem3A_70 : i32
      %mul3A_80 = arith.constant 16 : i32
      %mul3A_81 = arith.muli %select_n3A_79, %mul3A_80 : i32
      %swap3A = arith.index_cast %select_n3A_64 : i32 to index
      %swap3A_82 = arith.index_cast %mul3A_81 : i32 to index
      %swap3A_83 = tpu.vector_load %arg8[%swap3A, %swap3A_82] {strides = array<i32>} : memref<128x128xf32, #tpu.memory_space<vmem>>, vector<1x16xf32>,
      %swap3A_84 = vector.shape_cast %swap3A_83 : vector<1x16xf32> to vector<16xf32>
      %swap3A_85 = vector.shape_cast %broadcast_in_dim3A_46 : vector<16xf32> to vector<1x16xf32>
      tpu.vector_store %arg8[%swap3A, %swap3A_82], %swap3A_85 {strides = array<i32>} : memref<128x128xf32, #tpu.memory_space<vmem>>, vector<1x16xf32>,
      %scan3A_86 = arith.constant 0 : i32
      scf.yield %scan3A_86 : i32
    }
    %scan3A_5 = arith.constant 1024 : i32
    %mul3A = arith.constant 632 : i32
    %mul3A_6 = arith.muli %arg1, %mul3A : i32
    %add3A = arith.constant 0 : i32
    %add3A_7 = arith.addi %mul3A_6, %add3A : i32
    "tpu.region"() ({
      %run_scoped3A = tpu.sem_alloc : memref<!tpu.dma_semaphore, #tpu.memory_space<semaphore_mem>>
      %dma_start3A = arith.constant 0 : i32
      %dma_start3A_44 = tpu.memref_slice %arg9[%add3A_7, %dma_start3A] : memref<10112x128xf32, #tpu.memory_space<vmem_shared>> -> memref<128x128xf32, #tpu.memory_space<vmem_shared>>
      %dma_start3A_45 = arith.constant 0 : i32
      %dma_start3A_46 = tpu.memref_slice %arg9[%add3A_7, %dma_start3A_45] : memref<10112x128xf32, #tpu.memory_space<vmem_shared>> -> memref<128x128xf32, #tpu.memory_space<vmem_shared>>
      tpu.enqueue_dma source(%arg8 : memref<128x128xf32, #tpu.memory_space<vmem>>) target(%dma_start3A_46 : memref<128x128xf32, #tpu.memory_space<vmem_shared>>) target_semaphore(%run_scoped3A : memref<!tpu.dma_semaphore, #tpu.memory_space<semaphore_mem>>)
      %dma_wait3A = arith.constant 0 : i32
      %dma_wait3A_47 = tpu.memref_slice %arg9[%add3A_7, %dma_wait3A] : memref<10112x128xf32, #tpu.memory_space<vmem_shared>> -> memref<128x128xf32, #tpu.memory_space<vmem_shared>>
      %dma_wait3A_48 = arith.constant 0 : i32
      %dma_wait3A_49 = tpu.memref_slice %arg9[%add3A_7, %dma_wait3A_48] : memref<10112x128xf32, #tpu.memory_space<vmem_shared>> -> memref<128x128xf32, #tpu.memory_space<vmem_shared>>
      tpu.wait_dma2 semaphore(%run_scoped3A : memref<!tpu.dma_semaphore, #tpu.memory_space<semaphore_mem>>) src(%arg8 : memref<128x128xf32, #tpu.memory_space<vmem>>) dst(%dma_wait3A_49 : memref<128x128xf32, #tpu.memory_space<vmem_shared>>)
      tpu.yield
    }) : () -> ()
    %add3A_8 = arith.constant 128 : i32
    %add3A_9 = arith.addi %mul3A_6, %add3A_8 : i32
    "tpu.region"() ({
      %run_scoped3A = tpu.sem_alloc : memref<!tpu.dma_semaphore, #tpu.memory_space<semaphore_mem>>
      %dma_start3A = arith.constant 0 : i32
      %dma_start3A_44 = tpu.memref_slice %arg9[%add3A_9, %dma_start3A] : memref<10112x128xf32, #tpu.memory_space<vmem_shared>> -> memref<128x128xf32, #tpu.memory_space<vmem_shared>>
      %dma_start3A_45 = arith.constant 0 : i32
      %dma_start3A_46 = tpu.memref_slice %arg9[%add3A_9, %dma_start3A_45] : memref<10112x128xf32, #tpu.memory_space<vmem_shared>> -> memref<128x128xf32, #tpu.memory_space<vmem_shared>>
      tpu.enqueue_dma source(%arg8 : memref<128x128xf32, #tpu.memory_space<vmem>>) target(%dma_start3A_46 : memref<128x128xf32, #tpu.memory_space<vmem_shared>>) target_semaphore(%run_scoped3A : memref<!tpu.dma_semaphore, #tpu.memory_space<semaphore_mem>>)
      %dma_wait3A = arith.constant 0 : i32
      %dma_wait3A_47 = tpu.memref_slice %arg9[%add3A_9, %dma_wait3A] : memref<10112x128xf32, #tpu.memory_space<vmem_shared>> -> memref<128x128xf32, #tpu.memory_space<vmem_shared>>
      %dma_wait3A_48 = arith.constant 0 : i32
      %dma_wait3A_49 = tpu.memref_slice %arg9[%add3A_9, %dma_wait3A_48] : memref<10112x128xf32, #tpu.memory_space<vmem_shared>> -> memref<128x128xf32, #tpu.memory_space<vmem_shared>>
      tpu.wait_dma2 semaphore(%run_scoped3A : memref<!tpu.dma_semaphore, #tpu.memory_space<semaphore_mem>>) src(%arg8 : memref<128x128xf32, #tpu.memory_space<vmem>>) dst(%dma_wait3A_49 : memref<128x128xf32, #tpu.memory_space<vmem_shared>>)
      tpu.yield
    }) : () -> ()
    %add3A_10 = arith.constant 256 : i32
    %add3A_11 = arith.addi %mul3A_6, %add3A_10 : i32
    "tpu.region"() ({
      %run_scoped3A = tpu.sem_alloc : memref<!tpu.dma_semaphore, #tpu.memory_space<semaphore_mem>>
      %dma_start3A = arith.constant 0 : i32
      %dma_start3A_44 = tpu.memref_slice %arg9[%add3A_11, %dma_start3A] : memref<10112x128xf32, #tpu.memory_space<vmem_shared>> -> memref<128x128xf32, #tpu.memory_space<vmem_shared>>
      %dma_start3A_45 = arith.constant 0 : i32
      %dma_start3A_46 = tpu.memref_slice %arg9[%add3A_11, %dma_start3A_45] : memref<10112x128xf32, #tpu.memory_space<vmem_shared>> -> memref<128x128xf32, #tpu.memory_space<vmem_shared>>
      tpu.enqueue_dma source(%arg8 : memref<128x128xf32, #tpu.memory_space<vmem>>) target(%dma_start3A_46 : memref<128x128xf32, #tpu.memory_space<vmem_shared>>) target_semaphore(%run_scoped3A : memref<!tpu.dma_semaphore, #tpu.memory_space<semaphore_mem>>)
      %dma_wait3A = arith.constant 0 : i32
      %dma_wait3A_47 = tpu.memref_slice %arg9[%add3A_11, %dma_wait3A] : memref<10112x128xf32, #tpu.memory_space<vmem_shared>> -> memref<128x128xf32, #tpu.memory_space<vmem_shared>>
      %dma_wait3A_48 = arith.constant 0 : i32
      %dma_wait3A_49 = tpu.memref_slice %arg9[%add3A_11, %dma_wait3A_48] : memref<10112x128xf32, #tpu.memory_space<vmem_shared>> -> memref<128x128xf32, #tpu.memory_space<vmem_shared>>
      tpu.wait_dma2 semaphore(%run_scoped3A : memref<!tpu.dma_semaphore, #tpu.memory_space<semaphore_mem>>) src(%arg8 : memref<128x128xf32, #tpu.memory_space<vmem>>) dst(%dma_wait3A_49 : memref<128x128xf32, #tpu.memory_space<vmem_shared>>)
      tpu.yield
    }) : () -> ()
    %add3A_12 = arith.constant 384 : i32
    %add3A_13 = arith.addi %mul3A_6, %add3A_12 : i32
    "tpu.region"() ({
      %run_scoped3A = tpu.sem_alloc : memref<!tpu.dma_semaphore, #tpu.memory_space<semaphore_mem>>
      %dma_start3A = arith.constant 0 : i32
      %dma_start3A_44 = tpu.memref_slice %arg9[%add3A_13, %dma_start3A] : memref<10112x128xf32, #tpu.memory_space<vmem_shared>> -> memref<128x128xf32, #tpu.memory_space<vmem_shared>>
      %dma_start3A_45 = arith.constant 0 : i32
      %dma_start3A_46 = tpu.memref_slice %arg9[%add3A_13, %dma_start3A_45] : memref<10112x128xf32, #tpu.memory_space<vmem_shared>> -> memref<128x128xf32, #tpu.memory_space<vmem_shared>>
      tpu.enqueue_dma source(%arg8 : memref<128x128xf32, #tpu.memory_space<vmem>>) target(%dma_start3A_46 : memref<128x128xf32, #tpu.memory_space<vmem_shared>>) target_semaphore(%run_scoped3A : memref<!tpu.dma_semaphore, #tpu.memory_space<semaphore_mem>>)
      %dma_wait3A = arith.constant 0 : i32
      %dma_wait3A_47 = tpu.memref_slice %arg9[%add3A_13, %dma_wait3A] : memref<10112x128xf32, #tpu.memory_space<vmem_shared>> -> memref<128x128xf32, #tpu.memory_space<vmem_shared>>
      %dma_wait3A_48 = arith.constant 0 : i32
      %dma_wait3A_49 = tpu.memref_slice %arg9[%add3A_13, %dma_wait3A_48] : memref<10112x128xf32, #tpu.memory_space<vmem_shared>> -> memref<128x128xf32, #tpu.memory_space<vmem_shared>>
      tpu.wait_dma2 semaphore(%run_scoped3A : memref<!tpu.dma_semaphore, #tpu.memory_space<semaphore_mem>>) src(%arg8 : memref<128x128xf32, #tpu.memory_space<vmem>>) dst(%dma_wait3A_49 : memref<128x128xf32, #tpu.memory_space<vmem_shared>>)
      tpu.yield
    }) : () -> ()
    %add3A_14 = arith.constant 512 : i32
    %add3A_15 = arith.addi %mul3A_6, %add3A_14 : i32
    "tpu.region"() ({
      %run_scoped3A = tpu.sem_alloc : memref<!tpu.dma_semaphore, #tpu.memory_space<semaphore_mem>>
      %dma_start3A = arith.constant 0 : i32
      %dma_start3A_44 = arith.constant 0 : i32
      %dma_start3A_45 = tpu.memref_slice %arg8[%dma_start3A, %dma_start3A_44] : memref<128x128xf32, #tpu.memory_space<vmem>> -> memref<120x128xf32, #tpu.memory_space<vmem>>
      %dma_start3A_46 = arith.constant 0 : i32
      %dma_start3A_47 = tpu.memref_slice %arg9[%add3A_15, %dma_start3A_46] : memref<10112x128xf32, #tpu.memory_space<vmem_shared>> -> memref<120x128xf32, #tpu.memory_space<vmem_shared>>
      %dma_start3A_48 = arith.constant 0 : i32
      %dma_start3A_49 = tpu.memref_slice %arg9[%add3A_15, %dma_start3A_48] : memref<10112x128xf32, #tpu.memory_space<vmem_shared>> -> memref<120x128xf32, #tpu.memory_space<vmem_shared>>
      %dma_start3A_50 = arith.constant 0 : i32
      %dma_start3A_51 = arith.constant 0 : i32
      %dma_start3A_52 = tpu.memref_slice %arg8[%dma_start3A_50, %dma_start3A_51] : memref<128x128xf32, #tpu.memory_space<vmem>> -> memref<120x128xf32, #tpu.memory_space<vmem>>
      tpu.enqueue_dma source(%dma_start3A_52 : memref<120x128xf32, #tpu.memory_space<vmem>>) target(%dma_start3A_49 : memref<120x128xf32, #tpu.memory_space<vmem_shared>>) target_semaphore(%run_scoped3A : memref<!tpu.dma_semaphore, #tpu.memory_space<semaphore_mem>>)
      %dma_wait3A = arith.constant 0 : i32
      %dma_wait3A_53 = arith.constant 0 : i32
      %dma_wait3A_54 = tpu.memref_slice %arg8[%dma_wait3A, %dma_wait3A_53] : memref<128x128xf32, #tpu.memory_space<vmem>> -> memref<120x128xf32, #tpu.memory_space<vmem>>
      %dma_wait3A_55 = arith.constant 0 : i32
      %dma_wait3A_56 = tpu.memref_slice %arg9[%add3A_15, %dma_wait3A_55] : memref<10112x128xf32, #tpu.memory_space<vmem_shared>> -> memref<120x128xf32, #tpu.memory_space<vmem_shared>>
      %dma_wait3A_57 = arith.constant 0 : i32
      %dma_wait3A_58 = tpu.memref_slice %arg9[%add3A_15, %dma_wait3A_57] : memref<10112x128xf32, #tpu.memory_space<vmem_shared>> -> memref<120x128xf32, #tpu.memory_space<vmem_shared>>
      %dma_wait3A_59 = arith.constant 0 : i32
      %dma_wait3A_60 = arith.constant 0 : i32
      %dma_wait3A_61 = tpu.memref_slice %arg8[%dma_wait3A_59, %dma_wait3A_60] : memref<128x128xf32, #tpu.memory_space<vmem>> -> memref<120x128xf32, #tpu.memory_space<vmem>>
      tpu.wait_dma2 semaphore(%run_scoped3A : memref<!tpu.dma_semaphore, #tpu.memory_space<semaphore_mem>>) src(%dma_wait3A_61 : memref<120x128xf32, #tpu.memory_space<vmem>>) dst(%dma_wait3A_58 : memref<120x128xf32, #tpu.memory_space<vmem_shared>>)
      tpu.yield
    }) : () -> ()
    %barrier3A = arith.constant 0 : index
    tpu.barrier barrier_id(%barrier3A)
    %eq3A = arith.constant 0 : i32
    %eq3A_16 = arith.cmpi eq, %arg0, %eq3A : i32
    %mul3A_17 = arith.constant 12800 : i32
    %mul3A_18 = arith.muli %arg1, %mul3A_17 : i32
    %mul3A_19 = arith.constant 7424 : i32
    %mul3A_20 = arith.muli %arg1, %mul3A_19 : i32
    %add3A_21 = arith.constant 204800 : i32
    %add3A_22 = arith.addi %add3A_21, %mul3A_20 : i32
    %select_n3A = arith.select %eq3A_16, %mul3A_18, %add3A_22 : i32
    %eq3A_23 = arith.constant 0 : i32
    %eq3A_24 = arith.cmpi eq, %arg0, %eq3A_23 : i32
    %jit3A = arith.constant 100 : i32
    %jit3A_25 = arith.constant 58 : i32
    %select_n3A_26 = arith.select %eq3A_24, %jit3A, %jit3A_25 : i32
    %while3A = arith.constant 0 : i32
    %while3A_27 = arith.constant 0 : i32
    %while3A_28 = arith.subi %select_n3A_26, %while3A : i32
    %while3A_29 = arith.addi %while3A, %while3A_28 : i32
    %while3A_30 = arith.constant 1 : i32
    %while3A_31 = arith.divsi %while3A_28, %while3A_30 : i32
    %while3A_32 = arith.muli %while3A_31, %while3A_30 : i32
    %while3A_33 = arith.addi %while3A, %while3A_32 : i32
    %while3A_34 = arith.constant 1 : i32
    %while3A_35 = scf.for %while3A_44 = %while3A to %while3A_33 step %while3A_34 iter_args(%while3A_45 = %while3A_27) -> (i32)  : i32 {
      %mul3A_46 = arith.constant 128 : i32
      %mul3A_47 = arith.muli %while3A_44, %mul3A_46 : i32
      %add3A_48 = arith.addi %select_n3A, %mul3A_47 : i32
      "tpu.region"() ({
        %run_scoped3A = tpu.sem_alloc : memref<!tpu.dma_semaphore, #tpu.memory_space<semaphore_mem>>
        %dma_start3A_54 = tpu.memref_slice %arg3[%add3A_48] : memref<323584xi32, #tpu.memory_space<hbm>> -> memref<128xi32, #tpu.memory_space<hbm>>
        %dma_start3A_55 = tpu.memref_slice %arg3[%add3A_48] : memref<323584xi32, #tpu.memory_space<hbm>> -> memref<128xi32, #tpu.memory_space<hbm>>
        tpu.enqueue_dma source(%dma_start3A_55 : memref<128xi32, #tpu.memory_space<hbm>>) target(%arg6 : memref<128xi32, #tpu.memory_space<vmem>>) target_semaphore(%run_scoped3A : memref<!tpu.dma_semaphore, #tpu.memory_space<semaphore_mem>>)
        %dma_wait3A_56 = tpu.memref_slice %arg3[%add3A_48] : memref<323584xi32, #tpu.memory_space<hbm>> -> memref<128xi32, #tpu.memory_space<hbm>>
        %dma_wait3A_57 = tpu.memref_slice %arg3[%add3A_48] : memref<323584xi32, #tpu.memory_space<hbm>> -> memref<128xi32, #tpu.memory_space<hbm>>
        tpu.wait_dma2 semaphore(%run_scoped3A : memref<!tpu.dma_semaphore, #tpu.memory_space<semaphore_mem>>) src(%dma_wait3A_57 : memref<128xi32, #tpu.memory_space<hbm>>) dst(%arg6 : memref<128xi32, #tpu.memory_space<vmem>>)
        tpu.yield
      }) : () -> ()
      "tpu.region"() ({
        %run_scoped3A = tpu.sem_alloc : memref<!tpu.dma_semaphore, #tpu.memory_space<semaphore_mem>>
        %dma_start3A_54 = tpu.memref_slice %arg4[%add3A_48] : memref<323584xi32, #tpu.memory_space<hbm>> -> memref<128xi32, #tpu.memory_space<hbm>>
        %dma_start3A_55 = tpu.memref_slice %arg4[%add3A_48] : memref<323584xi32, #tpu.memory_space<hbm>> -> memref<128xi32, #tpu.memory_space<hbm>>
        tpu.enqueue_dma source(%dma_start3A_55 : memref<128xi32, #tpu.memory_space<hbm>>) target(%arg7 : memref<128xi32, #tpu.memory_space<vmem>>) target_semaphore(%run_scoped3A : memref<!tpu.dma_semaphore, #tpu.memory_space<semaphore_mem>>)
        %dma_wait3A_56 = tpu.memref_slice %arg4[%add3A_48] : memref<323584xi32, #tpu.memory_space<hbm>> -> memref<128xi32, #tpu.memory_space<hbm>>
        %dma_wait3A_57 = tpu.memref_slice %arg4[%add3A_48] : memref<323584xi32, #tpu.memory_space<hbm>> -> memref<128xi32, #tpu.memory_space<hbm>>
        tpu.wait_dma2 semaphore(%run_scoped3A : memref<!tpu.dma_semaphore, #tpu.memory_space<semaphore_mem>>) src(%dma_wait3A_57 : memref<128xi32, #tpu.memory_space<hbm>>) dst(%arg7 : memref<128xi32, #tpu.memory_space<vmem>>)
        tpu.yield
      }) : () -> ()
      %dma_start3A = arith.constant 0 : i32
      %dma_start3A_49 = arith.constant 0 : i32
      %dma_start3A_50 = tpu.memref_slice %arg2[%dma_start3A, %dma_start3A_49] : memref<10000x128xf32, #tpu.memory_space<hbm>> -> memref<10000x128xf32, #tpu.memory_space<hbm>>
      tpu.enqueue_indirect_dma source(%dma_start3A_50 : memref<10000x128xf32, #tpu.memory_space<hbm>>) target(%arg8 : memref<128x128xf32, #tpu.memory_space<vmem>>) offsets(%arg6 : memref<128xi32, #tpu.memory_space<vmem>>) semaphore(%arg10 : memref<!tpu.dma_semaphore, #tpu.memory_space<semaphore_mem>>)
      %dma_wait3A = arith.constant 0 : i32
      %dma_wait3A_51 = arith.constant 0 : i32
      %dma_wait3A_52 = tpu.memref_slice %arg2[%dma_wait3A, %dma_wait3A_51] : memref<10000x128xf32, #tpu.memory_space<hbm>> -> memref<10000x128xf32, #tpu.memory_space<hbm>>
      tpu.wait_indirect_dma semaphore(%arg10 : memref<!tpu.dma_semaphore, #tpu.memory_space<semaphore_mem>>) src(%dma_wait3A_52 : memref<10000x128xf32, #tpu.memory_space<hbm>>) dst(%arg8 : memref<128x128xf32, #tpu.memory_space<vmem>>)
      "tpu.region"() ({
        %run_scoped3A = tpu.sem_alloc : memref<!tpu.dma_semaphore, #tpu.memory_space<semaphore_mem>>
        %dma_start3A_54 = arith.constant 0 : i32
        %dma_start3A_55 = arith.constant 0 : i32
        %dma_start3A_56 = tpu.memref_slice %arg9[%dma_start3A_54, %dma_start3A_55] : memref<10112x128xf32, #tpu.memory_space<vmem_shared>> -> memref<10112x128xf32, #tpu.memory_space<vmem_shared>>
        tpu.enqueue_indirect_dma source(%arg8 : memref<128x128xf32, #tpu.memory_space<vmem>>) target(%dma_start3A_56 : memref<10112x128xf32, #tpu.memory_space<vmem_shared>>) offsets(%arg7 : memref<128xi32, #tpu.memory_space<vmem>>) semaphore(%run_scoped3A : memref<!tpu.dma_semaphore, #tpu.memory_space<semaphore_mem>>) {add = true}
        %dma_wait3A_57 = arith.constant 0 : i32
        %dma_wait3A_58 = arith.constant 0 : i32
        %dma_wait3A_59 = tpu.memref_slice %arg9[%dma_wait3A_57, %dma_wait3A_58] : memref<10112x128xf32, #tpu.memory_space<vmem_shared>> -> memref<10112x128xf32, #tpu.memory_space<vmem_shared>>
        tpu.wait_indirect_dma semaphore(%run_scoped3A : memref<!tpu.dma_semaphore, #tpu.memory_space<semaphore_mem>>) src(%arg8 : memref<128x128xf32, #tpu.memory_space<vmem>>) dst(%dma_wait3A_59 : memref<10112x128xf32, #tpu.memory_space<vmem_shared>>)
        tpu.yield
      }) : () -> ()
      %while3A_53 = arith.constant 0 : i32
      scf.yield %while3A_53 : i32
    }
    %while3A_36 = arith.constant 1 : i32
    %while3A_37 = scf.for %while3A_44 = %while3A_33 to %while3A_29 step %while3A_36 iter_args(%while3A_45 = %while3A_35) -> (i32)  : i32 {
      %mul3A_46 = arith.constant 128 : i32
      %mul3A_47 = arith.muli %while3A_44, %mul3A_46 : i32
      %add3A_48 = arith.addi %select_n3A, %mul3A_47 : i32
      "tpu.region"() ({
        %run_scoped3A = tpu.sem_alloc : memref<!tpu.dma_semaphore, #tpu.memory_space<semaphore_mem>>
        %dma_start3A_54 = tpu.memref_slice %arg3[%add3A_48] : memref<323584xi32, #tpu.memory_space<hbm>> -> memref<128xi32, #tpu.memory_space<hbm>>
        %dma_start3A_55 = tpu.memref_slice %arg3[%add3A_48] : memref<323584xi32, #tpu.memory_space<hbm>> -> memref<128xi32, #tpu.memory_space<hbm>>
        tpu.enqueue_dma source(%dma_start3A_55 : memref<128xi32, #tpu.memory_space<hbm>>) target(%arg6 : memref<128xi32, #tpu.memory_space<vmem>>) target_semaphore(%run_scoped3A : memref<!tpu.dma_semaphore, #tpu.memory_space<semaphore_mem>>)
        %dma_wait3A_56 = tpu.memref_slice %arg3[%add3A_48] : memref<323584xi32, #tpu.memory_space<hbm>> -> memref<128xi32, #tpu.memory_space<hbm>>
        %dma_wait3A_57 = tpu.memref_slice %arg3[%add3A_48] : memref<323584xi32, #tpu.memory_space<hbm>> -> memref<128xi32, #tpu.memory_space<hbm>>
        tpu.wait_dma2 semaphore(%run_scoped3A : memref<!tpu.dma_semaphore, #tpu.memory_space<semaphore_mem>>) src(%dma_wait3A_57 : memref<128xi32, #tpu.memory_space<hbm>>) dst(%arg6 : memref<128xi32, #tpu.memory_space<vmem>>)
        tpu.yield
      }) : () -> ()
      "tpu.region"() ({
        %run_scoped3A = tpu.sem_alloc : memref<!tpu.dma_semaphore, #tpu.memory_space<semaphore_mem>>
        %dma_start3A_54 = tpu.memref_slice %arg4[%add3A_48] : memref<323584xi32, #tpu.memory_space<hbm>> -> memref<128xi32, #tpu.memory_space<hbm>>
        %dma_start3A_55 = tpu.memref_slice %arg4[%add3A_48] : memref<323584xi32, #tpu.memory_space<hbm>> -> memref<128xi32, #tpu.memory_space<hbm>>
        tpu.enqueue_dma source(%dma_start3A_55 : memref<128xi32, #tpu.memory_space<hbm>>) target(%arg7 : memref<128xi32, #tpu.memory_space<vmem>>) target_semaphore(%run_scoped3A : memref<!tpu.dma_semaphore, #tpu.memory_space<semaphore_mem>>)
        %dma_wait3A_56 = tpu.memref_slice %arg4[%add3A_48] : memref<323584xi32, #tpu.memory_space<hbm>> -> memref<128xi32, #tpu.memory_space<hbm>>
        %dma_wait3A_57 = tpu.memref_slice %arg4[%add3A_48] : memref<323584xi32, #tpu.memory_space<hbm>> -> memref<128xi32, #tpu.memory_space<hbm>>
        tpu.wait_dma2 semaphore(%run_scoped3A : memref<!tpu.dma_semaphore, #tpu.memory_space<semaphore_mem>>) src(%dma_wait3A_57 : memref<128xi32, #tpu.memory_space<hbm>>) dst(%arg7 : memref<128xi32, #tpu.memory_space<vmem>>)
        tpu.yield
      }) : () -> ()
      %dma_start3A = arith.constant 0 : i32
      %dma_start3A_49 = arith.constant 0 : i32
      %dma_start3A_50 = tpu.memref_slice %arg2[%dma_start3A, %dma_start3A_49] : memref<10000x128xf32, #tpu.memory_space<hbm>> -> memref<10000x128xf32, #tpu.memory_space<hbm>>
      tpu.enqueue_indirect_dma source(%dma_start3A_50 : memref<10000x128xf32, #tpu.memory_space<hbm>>) target(%arg8 : memref<128x128xf32, #tpu.memory_space<vmem>>) offsets(%arg6 : memref<128xi32, #tpu.memory_space<vmem>>) semaphore(%arg10 : memref<!tpu.dma_semaphore, #tpu.memory_space<semaphore_mem>>)
      %dma_wait3A = arith.constant 0 : i32
      %dma_wait3A_51 = arith.constant 0 : i32
      %dma_wait3A_52 = tpu.memref_slice %arg2[%dma_wait3A, %dma_wait3A_51] : memref<10000x128xf32, #tpu.memory_space<hbm>> -> memref<10000x128xf32, #tpu.memory_space<hbm>>
      tpu.wait_indirect_dma semaphore(%arg10 : memref<!tpu.dma_semaphore, #tpu.memory_space<semaphore_mem>>) src(%dma_wait3A_52 : memref<10000x128xf32, #tpu.memory_space<hbm>>) dst(%arg8 : memref<128x128xf32, #tpu.memory_space<vmem>>)
      "tpu.region"() ({
        %run_scoped3A = tpu.sem_alloc : memref<!tpu.dma_semaphore, #tpu.memory_space<semaphore_mem>>
        %dma_start3A_54 = arith.constant 0 : i32
        %dma_start3A_55 = arith.constant 0 : i32
        %dma_start3A_56 = tpu.memref_slice %arg9[%dma_start3A_54, %dma_start3A_55] : memref<10112x128xf32, #tpu.memory_space<vmem_shared>> -> memref<10112x128xf32, #tpu.memory_space<vmem_shared>>
        tpu.enqueue_indirect_dma source(%arg8 : memref<128x128xf32, #tpu.memory_space<vmem>>) target(%dma_start3A_56 : memref<10112x128xf32, #tpu.memory_space<vmem_shared>>) offsets(%arg7 : memref<128xi32, #tpu.memory_space<vmem>>) semaphore(%run_scoped3A : memref<!tpu.dma_semaphore, #tpu.memory_space<semaphore_mem>>) {add = true}
        %dma_wait3A_57 = arith.constant 0 : i32
        %dma_wait3A_58 = arith.constant 0 : i32
        %dma_wait3A_59 = tpu.memref_slice %arg9[%dma_wait3A_57, %dma_wait3A_58] : memref<10112x128xf32, #tpu.memory_space<vmem_shared>> -> memref<10112x128xf32, #tpu.memory_space<vmem_shared>>
        tpu.wait_indirect_dma semaphore(%run_scoped3A : memref<!tpu.dma_semaphore, #tpu.memory_space<semaphore_mem>>) src(%arg8 : memref<128x128xf32, #tpu.memory_space<vmem>>) dst(%dma_wait3A_59 : memref<10112x128xf32, #tpu.memory_space<vmem_shared>>)
        tpu.yield
      }) : () -> ()
      %while3A_53 = arith.constant 0 : i32
      scf.yield %while3A_53 : i32
    }
    %barrier3A_38 = arith.constant 0 : index
    tpu.barrier barrier_id(%barrier3A_38)
    %mul3A_39 = arith.constant 624 : i32
    %mul3A_40 = arith.muli %arg1, %mul3A_39 : i32
    "tpu.region"() ({
      %run_scoped3A = tpu.sem_alloc : memref<!tpu.dma_semaphore, #tpu.memory_space<semaphore_mem>>
      %dma_start3A = arith.constant 0 : i32
      %dma_start3A_44 = tpu.memref_slice %arg5[%arg0, %mul3A_40, %dma_start3A] : memref<2x10000x128xf32, #tpu.memory_space<hbm>> -> memref<1x624x128xf32, #tpu.memory_space<hbm>>
      %dma_start3A_45 = tpu.memref_squeeze %dma_start3A_44 : memref<1x624x128xf32, #tpu.memory_space<hbm>> -> memref<624x128xf32, #tpu.memory_space<hbm>>
      %dma_start3A_46 = arith.constant 0 : i32
      %dma_start3A_47 = tpu.memref_slice %arg9[%mul3A_40, %dma_start3A_46] : memref<10112x128xf32, #tpu.memory_space<vmem_shared>> -> memref<624x128xf32, #tpu.memory_space<vmem_shared>>
      tpu.enqueue_dma source(%dma_start3A_47 : memref<624x128xf32, #tpu.memory_space<vmem_shared>>) target(%dma_start3A_45 : memref<624x128xf32, #tpu.memory_space<hbm>>) target_semaphore(%run_scoped3A : memref<!tpu.dma_semaphore, #tpu.memory_space<semaphore_mem>>)
      %dma_wait3A = arith.constant 0 : i32
      %dma_wait3A_48 = tpu.memref_slice %arg5[%arg0, %mul3A_40, %dma_wait3A] : memref<2x10000x128xf32, #tpu.memory_space<hbm>> -> memref<1x624x128xf32, #tpu.memory_space<hbm>>
      %dma_wait3A_49 = tpu.memref_squeeze %dma_wait3A_48 : memref<1x624x128xf32, #tpu.memory_space<hbm>> -> memref<624x128xf32, #tpu.memory_space<hbm>>
      %dma_wait3A_50 = arith.constant 0 : i32
      %dma_wait3A_51 = tpu.memref_slice %arg9[%mul3A_40, %dma_wait3A_50] : memref<10112x128xf32, #tpu.memory_space<vmem_shared>> -> memref<624x128xf32, #tpu.memory_space<vmem_shared>>
      tpu.wait_dma2 semaphore(%run_scoped3A : memref<!tpu.dma_semaphore, #tpu.memory_space<semaphore_mem>>) src(%dma_wait3A_51 : memref<624x128xf32, #tpu.memory_space<vmem_shared>>) dst(%dma_wait3A_49 : memref<624x128xf32, #tpu.memory_space<hbm>>)
      tpu.yield
    }) : () -> ()
    %eq3A_41 = arith.constant 0 : i32
    %eq3A_42 = arith.cmpi eq, %arg1, %eq3A_41 : i32
    %convert_element_type3A = arith.extui %eq3A_42 : i1 to i32
    %cond3A = arith.constant 0 : i32
    %cond3A_43 = arith.cmpi ne, %convert_element_type3A, %cond3A : i32
    scf.if %cond3A_43 {
      "tpu.region"() ({
        %run_scoped3A = tpu.sem_alloc : memref<!tpu.dma_semaphore, #tpu.memory_space<semaphore_mem>>
        %dma_start3A = arith.constant 9984 : i32
        %dma_start3A_44 = arith.constant 0 : i32
        %dma_start3A_45 = tpu.memref_slice %arg5[%arg0, %dma_start3A, %dma_start3A_44] : memref<2x10000x128xf32, #tpu.memory_space<hbm>> -> memref<1x16x128xf32, #tpu.memory_space<hbm>>
        %dma_start3A_46 = tpu.memref_squeeze %dma_start3A_45 : memref<1x16x128xf32, #tpu.memory_space<hbm>> -> memref<16x128xf32, #tpu.memory_space<hbm>>
        %dma_start3A_47 = arith.constant 9984 : i32
        %dma_start3A_48 = arith.constant 0 : i32
        %dma_start3A_49 = tpu.memref_slice %arg9[%dma_start3A_47, %dma_start3A_48] : memref<10112x128xf32, #tpu.memory_space<vmem_shared>> -> memref<16x128xf32, #tpu.memory_space<vmem_shared>>
        tpu.enqueue_dma source(%dma_start3A_49 : memref<16x128xf32, #tpu.memory_space<vmem_shared>>) target(%dma_start3A_46 : memref<16x128xf32, #tpu.memory_space<hbm>>) target_semaphore(%run_scoped3A : memref<!tpu.dma_semaphore, #tpu.memory_space<semaphore_mem>>)
        %dma_wait3A = arith.constant 9984 : i32
        %dma_wait3A_50 = arith.constant 0 : i32
        %dma_wait3A_51 = tpu.memref_slice %arg5[%arg0, %dma_wait3A, %dma_wait3A_50] : memref<2x10000x128xf32, #tpu.memory_space<hbm>> -> memref<1x16x128xf32, #tpu.memory_space<hbm>>
        %dma_wait3A_52 = tpu.memref_squeeze %dma_wait3A_51 : memref<1x16x128xf32, #tpu.memory_space<hbm>> -> memref<16x128xf32, #tpu.memory_space<hbm>>
        %dma_wait3A_53 = arith.constant 9984 : i32
        %dma_wait3A_54 = arith.constant 0 : i32
        %dma_wait3A_55 = tpu.memref_slice %arg9[%dma_wait3A_53, %dma_wait3A_54] : memref<10112x128xf32, #tpu.memory_space<vmem_shared>> -> memref<16x128xf32, #tpu.memory_space<vmem_shared>>
        tpu.wait_dma2 semaphore(%run_scoped3A : memref<!tpu.dma_semaphore, #tpu.memory_space<semaphore_mem>>) src(%dma_wait3A_55 : memref<16x128xf32, #tpu.memory_space<vmem_shared>>) dst(%dma_wait3A_52 : memref<16x128xf32, #tpu.memory_space<hbm>>)
        tpu.yield
      }) : () -> ()
    } else {
    }
    return
  }
}

module attributes {stable_mosaic.version = 14 : i64} {
  func.func @_tc_layer_body(%arg0: memref<10000x128xf32, #tpu.memory_space<vmem>>, %arg1: memref<2x10000x128xf32, #tpu.memory_space<vmem>>, %arg2: memref<128x128xf32, #tpu.memory_space<vmem>>, %arg3: memref<128xf32, #tpu.memory_space<vmem>>, %arg4: memref<128x128xf32, #tpu.memory_space<vmem>>, %arg5: memref<128xf32, #tpu.memory_space<vmem>>, %arg6: memref<128xf32, #tpu.memory_space<vmem>>, %arg7: memref<128xf32, #tpu.memory_space<vmem>>, %arg8: memref<10000xi32, #tpu.memory_space<vmem>>, %arg9: memref<10000x128xf32, #tpu.memory_space<vmem>>, %arg10: memref<128x128xf32, #tpu.memory_space<vmem>>) attributes {dimension_semantics = [], scalar_prefetch = 0 : i64, scratch_operands = 0 : i64, tpu.core_type = #tpu.core_type<tc>} {
    %get3A = arith.constant 0 : index
    %get3A_0 = arith.constant 0 : index
    %get3A_1 = vector.load %arg0[%get3A, %get3A_0] : memref<10000x128xf32, #tpu.memory_space<vmem>>, vector<10000x128xf32>
    %get3A_2 = arith.constant 0 : index
    %get3A_3 = arith.constant 0 : index
    %get3A_4 = arith.constant 0 : index
    %get3A_5 = vector.load %arg1[%get3A_2, %get3A_3, %get3A_4] : memref<2x10000x128xf32, #tpu.memory_space<vmem>>, vector<1x10000x128xf32>
    %get3A_6 = vector.shape_cast %get3A_5 : vector<1x10000x128xf32> to vector<10000x128xf32>
    %add3A = arith.addf %get3A_1, %get3A_6 : vector<10000x128xf32>
    %get3A_7 = arith.constant 1 : index
    %get3A_8 = arith.constant 0 : index
    %get3A_9 = arith.constant 0 : index
    %get3A_10 = vector.load %arg1[%get3A_7, %get3A_8, %get3A_9] : memref<2x10000x128xf32, #tpu.memory_space<vmem>>, vector<1x10000x128xf32>
    %get3A_11 = vector.shape_cast %get3A_10 : vector<1x10000x128xf32> to vector<10000x128xf32>
    %add3A_12 = arith.addf %add3A, %get3A_11 : vector<10000x128xf32>
    %get3A_13 = arith.constant 0 : index
    %get3A_14 = arith.constant 0 : index
    %get3A_15 = vector.load %arg2[%get3A_13, %get3A_14] : memref<128x128xf32, #tpu.memory_space<vmem>>, vector<128x128xf32>
    %dot_general3A = arith.constant dense<0.000000e+00> : vector<10000x128xf32>
    %dot_general3A_16 = tpu.matmul %add3A_12, %get3A_15, %dot_general3A {dimension_numbers = #tpu.dot_dimension_numbers<[1], [0], [0], [1], [0, 0, 1, 1], [], []>, transpose_lhs_hint = false} : vector<10000x128xf32>, vector<128x128xf32>, vector<10000x128xf32> -> vector<10000x128xf32>
    %get3A_17 = arith.constant 0 : index
    %get3A_18 = vector.load %arg3[%get3A_17] : memref<128xf32, #tpu.memory_space<vmem>>, vector<128xf32>
    %broadcast_in_dim3A = vector.shape_cast %get3A_18 : vector<128xf32> to vector<1x128xf32>
    %add3A_19 = vector.broadcast %broadcast_in_dim3A : vector<1x128xf32> to vector<10000x128xf32>
    %add3A_20 = arith.addf %dot_general3A_16, %add3A_19 : vector<10000x128xf32>
    %max3A = arith.constant 0.000000e+00 : f32
    %max3A_21 = vector.broadcast %max3A : f32 to vector<10000x128xf32>
    %max3A_22 = arith.maximumf %add3A_20, %max3A_21 : vector<10000x128xf32>
    %get3A_23 = arith.constant 0 : index
    %get3A_24 = arith.constant 0 : index
    %get3A_25 = vector.load %arg4[%get3A_23, %get3A_24] : memref<128x128xf32, #tpu.memory_space<vmem>>, vector<128x128xf32>
    %dot_general3A_26 = arith.constant dense<0.000000e+00> : vector<10000x128xf32>
    %dot_general3A_27 = tpu.matmul %max3A_22, %get3A_25, %dot_general3A_26 {dimension_numbers = #tpu.dot_dimension_numbers<[1], [0], [0], [1], [0, 0, 1, 1], [], []>, transpose_lhs_hint = false} : vector<10000x128xf32>, vector<128x128xf32>, vector<10000x128xf32> -> vector<10000x128xf32>
    %get3A_28 = arith.constant 0 : index
    %get3A_29 = vector.load %arg5[%get3A_28] : memref<128xf32, #tpu.memory_space<vmem>>, vector<128xf32>
    %broadcast_in_dim3A_30 = vector.shape_cast %get3A_29 : vector<128xf32> to vector<1x128xf32>
    %add3A_31 = vector.broadcast %broadcast_in_dim3A_30 : vector<1x128xf32> to vector<10000x128xf32>
    %add3A_32 = arith.addf %dot_general3A_27, %add3A_31 : vector<10000x128xf32>
    %max3A_33 = arith.constant 0.000000e+00 : f32
    %max3A_34 = vector.broadcast %max3A_33 : f32 to vector<10000x128xf32>
    %max3A_35 = arith.maximumf %add3A_32, %max3A_34 : vector<10000x128xf32>
    %reduce_sum3A = arith.constant dense<0.000000e+00> : vector<128xf32>
    %reduce_sum3A_36 = vector.multi_reduction <add>, %max3A_35, %reduce_sum3A [0] : vector<10000x128xf32> to vector<128xf32>
    %mul3A = arith.constant 9.99999974E-5 : f32
    %mul3A_37 = vector.broadcast %mul3A : f32 to vector<128xf32>
    %mul3A_38 = arith.mulf %reduce_sum3A_36, %mul3A_37 : vector<128xf32>
    %broadcast_in_dim3A_39 = vector.shape_cast %mul3A_38 : vector<128xf32> to vector<1x128xf32>
    %sub3A = vector.broadcast %broadcast_in_dim3A_39 : vector<1x128xf32> to vector<10000x128xf32>
    %sub3A_40 = arith.subf %max3A_35, %sub3A : vector<10000x128xf32>
    %mul3A_41 = arith.mulf %sub3A_40, %sub3A_40 : vector<10000x128xf32>
    %reduce_sum3A_42 = arith.constant dense<0.000000e+00> : vector<128xf32>
    %reduce_sum3A_43 = vector.multi_reduction <add>, %mul3A_41, %reduce_sum3A_42 [0] : vector<10000x128xf32> to vector<128xf32>
    %mul3A_44 = arith.constant 9.99999974E-5 : f32
    %mul3A_45 = vector.broadcast %mul3A_44 : f32 to vector<128xf32>
    %mul3A_46 = arith.mulf %reduce_sum3A_43, %mul3A_45 : vector<128xf32>
    %add3A_47 = arith.constant 9.99999974E-6 : f32
    %add3A_48 = vector.broadcast %add3A_47 : f32 to vector<128xf32>
    %add3A_49 = arith.addf %mul3A_46, %add3A_48 : vector<128xf32>
    %rsqrt3A = math.rsqrt %add3A_49 : vector<128xf32>
    %broadcast_in_dim3A_50 = vector.shape_cast %rsqrt3A : vector<128xf32> to vector<1x128xf32>
    %mul3A_51 = vector.broadcast %broadcast_in_dim3A_50 : vector<1x128xf32> to vector<10000x128xf32>
    %mul3A_52 = arith.mulf %sub3A_40, %mul3A_51 : vector<10000x128xf32>
    %get3A_53 = arith.constant 0 : index
    %get3A_54 = vector.load %arg6[%get3A_53] : memref<128xf32, #tpu.memory_space<vmem>>, vector<128xf32>
    %broadcast_in_dim3A_55 = vector.shape_cast %get3A_54 : vector<128xf32> to vector<1x128xf32>
    %mul3A_56 = vector.broadcast %broadcast_in_dim3A_55 : vector<1x128xf32> to vector<10000x128xf32>
    %mul3A_57 = arith.mulf %mul3A_52, %mul3A_56 : vector<10000x128xf32>
    %get3A_58 = arith.constant 0 : index
    %get3A_59 = vector.load %arg7[%get3A_58] : memref<128xf32, #tpu.memory_space<vmem>>, vector<128xf32>
    %broadcast_in_dim3A_60 = vector.shape_cast %get3A_59 : vector<128xf32> to vector<1x128xf32>
    %add3A_61 = vector.broadcast %broadcast_in_dim3A_60 : vector<1x128xf32> to vector<10000x128xf32>
    %add3A_62 = arith.addf %mul3A_57, %add3A_61 : vector<10000x128xf32>
    %swap3A = arith.constant 0 : index
    %swap3A_63 = arith.constant 0 : index
    %swap3A_64 = vector.load %arg9[%swap3A, %swap3A_63] : memref<10000x128xf32, #tpu.memory_space<vmem>>, vector<10000x128xf32>
    tpu.vector_store %arg9[%swap3A, %swap3A_63], %add3A_62 {strides = array<i32>} : memref<10000x128xf32, #tpu.memory_space<vmem>>, vector<10000x128xf32>,
    %get3A_65 = arith.constant 0 : index
    %get3A_66 = vector.load %arg8[%get3A_65] : memref<10000xi32, #tpu.memory_space<vmem>>, vector<10000xi32>
    %iota3A = tpu.iota {dimensions = array<i32: 0>} : vector<128x10000xi32>
    %broadcast_in_dim3A_67 = vector.shape_cast %get3A_66 : vector<10000xi32> to vector<1x10000xi32>
    %eq3A = vector.broadcast %broadcast_in_dim3A_67 : vector<1x10000xi32> to vector<128x10000xi32>
    %eq3A_68 = arith.cmpi eq, %iota3A, %eq3A : vector<128x10000xi32>
    %jit3A = arith.constant 1.000000e+00 : f32
    %jit3A_69 = arith.constant 0.000000e+00 : f32
    %broadcast_in_dim3A_70 = vector.broadcast %jit3A : f32 to vector<128x10000xf32>
    %broadcast_in_dim3A_71 = vector.broadcast %jit3A_69 : f32 to vector<128x10000xf32>
    %select_n3A = arith.select %eq3A_68, %broadcast_in_dim3A_70, %broadcast_in_dim3A_71 : vector<128x10000xi1>, vector<128x10000xf32>
    %dot_general3A_72 = arith.constant dense<0.000000e+00> : vector<128x128xf32>
    %dot_general3A_73 = tpu.matmul %select_n3A, %add3A_62, %dot_general3A_72 {dimension_numbers = #tpu.dot_dimension_numbers<[1], [0], [0], [1], [0, 0, 1, 1], [], []>, precision = #tpu.contract_precision<fp32>, transpose_lhs_hint = false} : vector<128x10000xf32>, vector<10000x128xf32>, vector<128x128xf32> -> vector<128x128xf32>
    %swap3A_74 = arith.constant 0 : index
    %swap3A_75 = arith.constant 0 : index
    %swap3A_76 = vector.load %arg10[%swap3A_74, %swap3A_75] : memref<128x128xf32, #tpu.memory_space<vmem>>, vector<128x128xf32>
    tpu.vector_store %arg10[%swap3A_74, %swap3A_75], %dot_general3A_73 {strides = array<i32>} : memref<128x128xf32, #tpu.memory_space<vmem>>, vector<128x128xf32>,
    return
  }
}

module attributes {stable_mosaic.version = 14 : i64} {
  func.func @_tc_layer_body(%arg0: memref<10000x128xf32, #tpu.memory_space<vmem>>, %arg1: memref<2x10000x128xf32, #tpu.memory_space<vmem>>, %arg2: memref<128x128xf32, #tpu.memory_space<vmem>>, %arg3: memref<128xf32, #tpu.memory_space<vmem>>, %arg4: memref<128x128xf32, #tpu.memory_space<vmem>>, %arg5: memref<128xf32, #tpu.memory_space<vmem>>, %arg6: memref<128xf32, #tpu.memory_space<vmem>>, %arg7: memref<128xf32, #tpu.memory_space<vmem>>, %arg8: memref<10000xi32, #tpu.memory_space<vmem>>, %arg9: memref<10000x128xf32, #tpu.memory_space<vmem>>, %arg10: memref<128x128xf32, #tpu.memory_space<vmem>>) attributes {dimension_semantics = [], scalar_prefetch = 0 : i64, scratch_operands = 0 : i64, tpu.core_type = #tpu.core_type<tc>} {
    %get3A = arith.constant 0 : index
    %get3A_0 = arith.constant 0 : index
    %get3A_1 = vector.load %arg0[%get3A, %get3A_0] : memref<10000x128xf32, #tpu.memory_space<vmem>>, vector<10000x128xf32>
    %get3A_2 = arith.constant 0 : index
    %get3A_3 = arith.constant 0 : index
    %get3A_4 = arith.constant 0 : index
    %get3A_5 = vector.load %arg1[%get3A_2, %get3A_3, %get3A_4] : memref<2x10000x128xf32, #tpu.memory_space<vmem>>, vector<1x10000x128xf32>
    %get3A_6 = vector.shape_cast %get3A_5 : vector<1x10000x128xf32> to vector<10000x128xf32>
    %add3A = arith.addf %get3A_1, %get3A_6 : vector<10000x128xf32>
    %get3A_7 = arith.constant 1 : index
    %get3A_8 = arith.constant 0 : index
    %get3A_9 = arith.constant 0 : index
    %get3A_10 = vector.load %arg1[%get3A_7, %get3A_8, %get3A_9] : memref<2x10000x128xf32, #tpu.memory_space<vmem>>, vector<1x10000x128xf32>
    %get3A_11 = vector.shape_cast %get3A_10 : vector<1x10000x128xf32> to vector<10000x128xf32>
    %add3A_12 = arith.addf %add3A, %get3A_11 : vector<10000x128xf32>
    %get3A_13 = arith.constant 0 : index
    %get3A_14 = arith.constant 0 : index
    %get3A_15 = vector.load %arg2[%get3A_13, %get3A_14] : memref<128x128xf32, #tpu.memory_space<vmem>>, vector<128x128xf32>
    %dot_general3A = arith.constant dense<0.000000e+00> : vector<10000x128xf32>
    %dot_general3A_16 = tpu.matmul %add3A_12, %get3A_15, %dot_general3A {dimension_numbers = #tpu.dot_dimension_numbers<[1], [0], [0], [1], [0, 0, 1, 1], [], []>, transpose_lhs_hint = false} : vector<10000x128xf32>, vector<128x128xf32>, vector<10000x128xf32> -> vector<10000x128xf32>
    %get3A_17 = arith.constant 0 : index
    %get3A_18 = vector.load %arg3[%get3A_17] : memref<128xf32, #tpu.memory_space<vmem>>, vector<128xf32>
    %broadcast_in_dim3A = vector.shape_cast %get3A_18 : vector<128xf32> to vector<1x128xf32>
    %add3A_19 = vector.broadcast %broadcast_in_dim3A : vector<1x128xf32> to vector<10000x128xf32>
    %add3A_20 = arith.addf %dot_general3A_16, %add3A_19 : vector<10000x128xf32>
    %max3A = arith.constant 0.000000e+00 : f32
    %max3A_21 = vector.broadcast %max3A : f32 to vector<10000x128xf32>
    %max3A_22 = arith.maximumf %add3A_20, %max3A_21 : vector<10000x128xf32>
    %get3A_23 = arith.constant 0 : index
    %get3A_24 = arith.constant 0 : index
    %get3A_25 = vector.load %arg4[%get3A_23, %get3A_24] : memref<128x128xf32, #tpu.memory_space<vmem>>, vector<128x128xf32>
    %dot_general3A_26 = arith.constant dense<0.000000e+00> : vector<10000x128xf32>
    %dot_general3A_27 = tpu.matmul %max3A_22, %get3A_25, %dot_general3A_26 {dimension_numbers = #tpu.dot_dimension_numbers<[1], [0], [0], [1], [0, 0, 1, 1], [], []>, transpose_lhs_hint = false} : vector<10000x128xf32>, vector<128x128xf32>, vector<10000x128xf32> -> vector<10000x128xf32>
    %get3A_28 = arith.constant 0 : index
    %get3A_29 = vector.load %arg5[%get3A_28] : memref<128xf32, #tpu.memory_space<vmem>>, vector<128xf32>
    %broadcast_in_dim3A_30 = vector.shape_cast %get3A_29 : vector<128xf32> to vector<1x128xf32>
    %add3A_31 = vector.broadcast %broadcast_in_dim3A_30 : vector<1x128xf32> to vector<10000x128xf32>
    %add3A_32 = arith.addf %dot_general3A_27, %add3A_31 : vector<10000x128xf32>
    %max3A_33 = arith.constant 0.000000e+00 : f32
    %max3A_34 = vector.broadcast %max3A_33 : f32 to vector<10000x128xf32>
    %max3A_35 = arith.maximumf %add3A_32, %max3A_34 : vector<10000x128xf32>
    %reduce_sum3A = arith.constant dense<0.000000e+00> : vector<128xf32>
    %reduce_sum3A_36 = vector.multi_reduction <add>, %max3A_35, %reduce_sum3A [0] : vector<10000x128xf32> to vector<128xf32>
    %mul3A = arith.constant 9.99999974E-5 : f32
    %mul3A_37 = vector.broadcast %mul3A : f32 to vector<128xf32>
    %mul3A_38 = arith.mulf %reduce_sum3A_36, %mul3A_37 : vector<128xf32>
    %broadcast_in_dim3A_39 = vector.shape_cast %mul3A_38 : vector<128xf32> to vector<1x128xf32>
    %sub3A = vector.broadcast %broadcast_in_dim3A_39 : vector<1x128xf32> to vector<10000x128xf32>
    %sub3A_40 = arith.subf %max3A_35, %sub3A : vector<10000x128xf32>
    %mul3A_41 = arith.mulf %sub3A_40, %sub3A_40 : vector<10000x128xf32>
    %reduce_sum3A_42 = arith.constant dense<0.000000e+00> : vector<128xf32>
    %reduce_sum3A_43 = vector.multi_reduction <add>, %mul3A_41, %reduce_sum3A_42 [0] : vector<10000x128xf32> to vector<128xf32>
    %mul3A_44 = arith.constant 9.99999974E-5 : f32
    %mul3A_45 = vector.broadcast %mul3A_44 : f32 to vector<128xf32>
    %mul3A_46 = arith.mulf %reduce_sum3A_43, %mul3A_45 : vector<128xf32>
    %add3A_47 = arith.constant 9.99999974E-6 : f32
    %add3A_48 = vector.broadcast %add3A_47 : f32 to vector<128xf32>
    %add3A_49 = arith.addf %mul3A_46, %add3A_48 : vector<128xf32>
    %rsqrt3A = math.rsqrt %add3A_49 : vector<128xf32>
    %broadcast_in_dim3A_50 = vector.shape_cast %rsqrt3A : vector<128xf32> to vector<1x128xf32>
    %mul3A_51 = vector.broadcast %broadcast_in_dim3A_50 : vector<1x128xf32> to vector<10000x128xf32>
    %mul3A_52 = arith.mulf %sub3A_40, %mul3A_51 : vector<10000x128xf32>
    %get3A_53 = arith.constant 0 : index
    %get3A_54 = vector.load %arg6[%get3A_53] : memref<128xf32, #tpu.memory_space<vmem>>, vector<128xf32>
    %broadcast_in_dim3A_55 = vector.shape_cast %get3A_54 : vector<128xf32> to vector<1x128xf32>
    %mul3A_56 = vector.broadcast %broadcast_in_dim3A_55 : vector<1x128xf32> to vector<10000x128xf32>
    %mul3A_57 = arith.mulf %mul3A_52, %mul3A_56 : vector<10000x128xf32>
    %get3A_58 = arith.constant 0 : index
    %get3A_59 = vector.load %arg7[%get3A_58] : memref<128xf32, #tpu.memory_space<vmem>>, vector<128xf32>
    %broadcast_in_dim3A_60 = vector.shape_cast %get3A_59 : vector<128xf32> to vector<1x128xf32>
    %add3A_61 = vector.broadcast %broadcast_in_dim3A_60 : vector<1x128xf32> to vector<10000x128xf32>
    %add3A_62 = arith.addf %mul3A_57, %add3A_61 : vector<10000x128xf32>
    %swap3A = arith.constant 0 : index
    %swap3A_63 = arith.constant 0 : index
    %swap3A_64 = vector.load %arg9[%swap3A, %swap3A_63] : memref<10000x128xf32, #tpu.memory_space<vmem>>, vector<10000x128xf32>
    tpu.vector_store %arg9[%swap3A, %swap3A_63], %add3A_62 {strides = array<i32>} : memref<10000x128xf32, #tpu.memory_space<vmem>>, vector<10000x128xf32>,
    %get3A_65 = arith.constant 0 : index
    %get3A_66 = vector.load %arg8[%get3A_65] : memref<10000xi32, #tpu.memory_space<vmem>>, vector<10000xi32>
    %iota3A = tpu.iota {dimensions = array<i32: 0>} : vector<128x10000xi32>
    %broadcast_in_dim3A_67 = vector.shape_cast %get3A_66 : vector<10000xi32> to vector<1x10000xi32>
    %eq3A = vector.broadcast %broadcast_in_dim3A_67 : vector<1x10000xi32> to vector<128x10000xi32>
    %eq3A_68 = arith.cmpi eq, %iota3A, %eq3A : vector<128x10000xi32>
    %jit3A = arith.constant 1.000000e+00 : f32
    %jit3A_69 = arith.constant 0.000000e+00 : f32
    %broadcast_in_dim3A_70 = vector.broadcast %jit3A : f32 to vector<128x10000xf32>
    %broadcast_in_dim3A_71 = vector.broadcast %jit3A_69 : f32 to vector<128x10000xf32>
    %select_n3A = arith.select %eq3A_68, %broadcast_in_dim3A_70, %broadcast_in_dim3A_71 : vector<128x10000xi1>, vector<128x10000xf32>
    %dot_general3A_72 = arith.constant dense<0.000000e+00> : vector<128x128xf32>
    %dot_general3A_73 = tpu.matmul %select_n3A, %add3A_62, %dot_general3A_72 {dimension_numbers = #tpu.dot_dimension_numbers<[1], [0], [0], [1], [0, 0, 1, 1], [], []>, precision = #tpu.contract_precision<fp32>, transpose_lhs_hint = false} : vector<128x10000xf32>, vector<10000x128xf32>, vector<128x128xf32> -> vector<128x128xf32>
    %swap3A_74 = arith.constant 0 : index
    %swap3A_75 = arith.constant 0 : index
    %swap3A_76 = vector.load %arg10[%swap3A_74, %swap3A_75] : memref<128x128xf32, #tpu.memory_space<vmem>>, vector<128x128xf32>
    tpu.vector_store %arg10[%swap3A_74, %swap3A_75], %dot_general3A_73 {strides = array<i32>} : memref<128x128xf32, #tpu.memory_space<vmem>>, vector<128x128xf32>,
    return
  }
}

</mosaic_0001>

<sc_bundles>
// kernel: kernel.11.cloned.1.call-start
scs
__scs_entry_jumppad:
0x0: {  	(pc) =	sbr.rel $0x88, $3  }
0x1: {  	(tag) =	ssettag $0x0;
	lr =	simm.s32 $0x1  }
0x2: {  	[smem:$0x3F90] =	sst lr;
	_ =	strace $0xD0000000  }
0x3: {  	_ = 	snop  }
0x4: {  	_ = 	snop  }
0x5: {  	_ = 	snop  }
0x6: {  	_ = 	snop  }
0x7: {  	_ = 	snop  }
__scs_overlays_trampoline_lowered:
0x8: {  	[smem:$0x3F9F] =	sst s0  }
0x9: {  	[smem:$0x3FA0] =	sst s1  }
0xa: {  	[smem:$0x3FA1] =	sst s2  }
0xb: {  	[smem:$0x3FA2] =	sst s3  }
0xc: {  	[smem:$0x3FA3] =	sst s4  }
0xd: {  	[smem:$0x3FA4] =	sst s5  }
0xe: {  	[smem:$0x3FA5] =	sst s6  }
0xf: {  	[smem:$0x3FA6] =	sst s7  }
0x10: {  	[smem:$0x3FA7] =	sst s8  }
0x11: {  	[smem:$0x3FA8] =	sst s9;
	s0 =	simm.s32 @!p0 $0x0  }
0x12: {  	s1 =	sld [smem:$0x3F8E];
	s0 =	simm.s32 @p0 $0x1  }
0x13: {  	[smem:$0x3FA9] =	sst s0;
	s0 =	simm.s32 @!p1 $0x0  }
0x14: {  	s2 =	sld [smem:$0x3F8D];
	s0 =	simm.s32 @p1 $0x1  }
0x15: {  	[smem:$0x3FAA] =	sst s0;
	s0 =	simm.s32 @!p2 $0x0  }
0x16: {  	s3 =	sld [smem:$0x3FDB];
	s0 =	simm.s32 @p2 $0x1  }
0x17: {  	s4 =	simm.s32 $0x1BF5;
	[smem:$0x3FAC] =	sst s0  }
0x18: {  	s0 =	sld [smem:$0x3F8F];
	_ =	swait.ge [sflag:s4], $0x0  }
0x19: {  	s7 =	sld [smem:$0x3F90]  }
0x1a: {  	s8 =	sadd.s32 $0xFFFFE003, lr  }
0x1b: {  	s9 =	sadd.s32 $0xFFFFFEF7, lr;
	s5 =	simm.s32 $0xFFFFFFFF;
	p2 =	slt.u32 s8, $0xFFFFF086  }
0x1c: {  	p1 =	slt.u32 s9, $0xF7A;
	s5 =	simm.s32 @!p2 $0x0  }
0x1d: {  	s5 =	simm.s32 @p1 $0x1;
	p0 =	seq.s32 s7, s2  }
0x1e: {  	s7 =	smul.u32 @!p0 $0xF7A, s2;
	p2 =	seq.s32 @!p0 s5, $0x0  }
0x1f: {  	s9 =	smul.u32 $0xF7A, s1;
	s8 =	simm.s32 @!p0 $0x1BF5;
	p2 =	por !p2, p0  }
0x20: {  	[sflag:s8] =	ssyncset.s32 @!p0 $0xFFFFF086;
	s6 =	sadd.s32 @!p0 s3, s7;
	s7 =	simm.s32 @!p0 $0x108  }
0x21: {  	s3 =	sadd.s32 s3, s9;
	s6 =	sadd.s32 @!p0 $0x88, s6;
	s7 =	simm.s32 @p2 $0x1082  }
0x22: {  	[simem:s7], [sflag:s8] =	dma.local @!p0 [hbm:s6], $0xF7A  }
0x23: {  	s9 =	sor.u32 $0xD0000000, s2;
	s6 =	simm.s32 $0x108;
	_ =	swait.ge @!p0 [sflag:s8], $0x0  }
0x24: {  	s3 =	sadd.s32 $0x88, s3;
	s6 =	simm.s32 @!p1 $0x1082;
	[sflag:s4] =	ssyncset.s32 $0xFFFFF086  }
0x25: {  	[simem:s6], [sflag:s4] =	dma.local [hbm:s3], $0xF7A  }
0x26: {  	[smem:$0x3F90] =	sst s1;
	(tag) =	ssettag s2;
	_ =	strace s9  }
0x27: {  	s1 =	sld [smem:$0x3FA0]  }
0x28: {  	s2 =	sld [smem:$0x3FA1]  }
0x29: {  	s4 =	sld [smem:$0x3FA3]  }
0x2a: {  	p0 =	seq.s32 s5, $0x0;
	s5 =	sld [smem:$0x3FA4]  }
0x2b: {  	s6 =	sld [smem:$0x3FA5]  }
0x2c: {  	s7 =	sld [smem:$0x3FA6]  }
0x2d: {  	s3 =	simm.s32 $0x108;
	s8 =	sld [smem:$0x3FA7]  }
0x2e: {  	s3 =	simm.s32 @!p0 $0x1082;
	s9 =	sld [smem:$0x3FA8]  }
0x2f: {  	lr =	sadd.s32 s0, s3;
	s0 =	sld [smem:$0x3F9F]  }
0x30: {  	s3 =	sld [smem:$0x3FA2]  }
0x31: {  	[smem:$0x3FAB] =	sst s10  }
0x32: {  	s10 =	sld [smem:$0x3FA9];
	_ =	sdelay $0x3  }
0x33: {  	p0 =	seq.s32 s10, $0x1;
	s10 =	sld [smem:$0x3FAB];
	_ =	sdelay $0x3  }
0x34: {  	[smem:$0x3FAB] =	sst s10  }
0x35: {  	s10 =	sld [smem:$0x3FAA];
	_ =	sdelay $0x3  }
0x36: {  	p1 =	seq.s32 s10, $0x1;
	s10 =	sld [smem:$0x3FAB];
	_ =	sdelay $0x3  }
0x37: {  	[smem:$0x3FAB] =	sst s10  }
0x38: {  	s10 =	sld [smem:$0x3FAC]  }
0x39: {  	_ = 	snop;
	(pc) =	sbr.ind lr, $3  }
0x3a: {  	_ = 	snop  }
0x3b: {  	_ = 	snop  }
0x3c: {  	p2 =	seq.s32 s10, $0x1;
	s10 =	sld [smem:$0x3FAB]  }
0x3d: {  	_ =	shalt  }
0x3e: {  	_ =	shalt  }
0x3f: {  	_ =	shalt  }
0x40: {  	_ =	shalt  }
0x41: {  	_ =	shalt  }
0x42: {  	_ =	shalt  }
0x43: {  	_ =	shalt  }
0x44: {  	_ =	shalt  }
0x45: {  	_ =	shalt  }
0x46: {  	_ =	shalt  }
0x47: {  	_ =	shalt  }
0x48: {  	_ =	shalt  }
0x49: {  	_ =	shalt  }
0x4a: {  	_ =	shalt  }
0x4b: {  	_ =	shalt  }
0x4c: {  	_ =	shalt  }
0x4d: {  	_ =	shalt  }
0x4e: {  	_ =	shalt  }
0x4f: {  	_ =	shalt  }
0x50: {  	_ =	shalt  }
0x51: {  	_ =	shalt  }
0x52: {  	_ =	shalt  }
0x53: {  	_ =	shalt  }
0x54: {  	_ =	shalt  }
0x55: {  	_ =	shalt  }
0x56: {  	_ =	shalt  }
0x57: {  	_ =	shalt  }
0x58: {  	_ =	shalt  }
0x59: {  	_ =	shalt  }
0x5a: {  	_ =	shalt  }
0x5b: {  	_ =	shalt  }
0x5c: {  	_ =	shalt  }
0x5d: {  	_ =	shalt  }
0x5e: {  	_ =	shalt  }
0x5f: {  	_ =	shalt  }
0x60: {  	_ =	shalt  }
0x61: {  	_ =	shalt  }
0x62: {  	_ =	shalt  }
0x63: {  	_ =	shalt  }
0x64: {  	_ =	shalt  }
0x65: {  	_ =	shalt  }
0x66: {  	_ =	shalt  }
0x67: {  	_ =	shalt  }
0x68: {  	_ =	shalt  }
0x69: {  	_ =	shalt  }
0x6a: {  	_ =	shalt  }
0x6b: {  	_ =	shalt  }
0x6c: {  	_ =	shalt  }
0x6d: {  	_ =	shalt  }
0x6e: {  	_ =	shalt  }
0x6f: {  	_ =	shalt  }
0x70: {  	_ =	shalt  }
0x71: {  	_ =	shalt  }
0x72: {  	_ =	shalt  }
0x73: {  	_ =	shalt  }
0x74: {  	_ =	shalt  }
0x75: {  	_ =	shalt  }
0x76: {  	_ =	shalt  }
0x77: {  	_ =	shalt  }
0x78: {  	_ =	shalt  }
0x79: {  	_ =	shalt  }
0x7a: {  	_ =	shalt  }
0x7b: {  	_ =	shalt  }
0x7c: {  	_ =	shalt  }
0x7d: {  	_ =	shalt  }
0x7e: {  	_ =	shalt  }
0x7f: {  	_ =	shalt  }
0x80: {  	_ =	shalt  }
0x81: {  	_ =	shalt  }
0x82: {  	_ =	shalt  }
0x83: {  	_ =	shalt  }
0x84: {  	_ =	shalt  }
0x85: {  	_ =	shalt  }
0x86: {  	_ =	shalt  }
0x87: {  	_ =	shalt  }
.Lfunc_end0:
.L_simem_size_0:
called_computation.1_lowered:
.L_overlay_start_0:
0x88: {  	s2 =	sld [smem:$0x3FD9]  }
0x89: {  	s3 =	sld [smem:$0x3FFE];
	_ =	sdelay $0x1  }
0x8a: {  	s1 =	srdreg.scid  }
0x8b: {  	s0 =	sand.u32 $0x1, s1  }
0x8c: {  	s16 =	sshll.u32 s0, $0xA;
	s2 =	sadd.s32 s3, s2  }
0x8d: {  	s2 =	sadd.s32 s2, s16  }
0x8e: {  	[smem:$0x3FB7] =	sst s2  }
0x8f: {  	_ = 	snop  }
0x90: {  	(tm) =	ssettm $0x1  }
0x91: {  	s17 =	sld [smem:$0x3FFB];
	_ =	sdelay $0x3  }
0x92: {  	_ =	strace s17  }
0x93: {  	s2 =	sld [smem:$0x3FFC];
	_ =	sdelay $0x3  }
0x94: {  	_ =	strace s2  }
0x95: {  	s2 =	sld [smem:$0x3FFD];
	_ =	sdelay $0x3  }
0x96: {  	_ =	strace s2  }
0x97: {  	_ =	strace $0x8FFFFFFF  }
0x98: {  	s18 =	sld [smem:$0x3FDB];
	_ =	sdelay $0x1  }
0x99: {  	s19 =	simm.s32 $_scs_section_size  }
0x9a: {  	s4 =	simm.s32 $_size__tile_overlayer_lowered;
	s5 =	simm.s32 $_tile_overlayer_lowered  }
0x9b: {  	s22 =	simm.s32 $0x1BFF;
	s21 =	sshll.u32 s5, $0x1;
	s2 =	sadd.s32 s19, s18  }
0x9c: {  	s6 =	simm.s32 $0x0;
	s20 =	sshll.u32 s4, $0x1;
	s4 =	sadd.s32 s21, s2  }
0x9d: {  	[timem:s6], [sflag:s22] =	dma.local [hbm:s4], s20  }
0x9e: {  	_ =	swait.ge [sflag:s22], s20  }
0x9f: {  	s3 =	ssub.s32 $0x0, s20;
	[sflag:s22] =	ssyncset.done $0x0  }
0xa0: {  	[sflag:s22] =	ssyncadd.s32 s3;
	_ =	sdelay $0x1  }
0xa1: {  	s23 =	simm.s32 $0x1B8B  }
0xa2: {  	_ =	swait.ge [sflag:s23], $0x1  }
0xa3: {  	[sflag:s23] =	ssyncset.done $0x0  }
0xa4: {  	s25 =	simm.s32 $0x1B8E;
	s24 =	sld [smem:$0x3FFE];
	[sflag:s23] =	ssyncadd.s32 $0xFFFFFFFF  }
0xa5: {  	s26 =	simm.s32 $execute0_lowered;
	[smem:$0x3FD2] =	sst s25  }
0xa6: {  	s4 =	sshll.u32 s26, $0x1;
	_ =	strace $0x80000049;
	[dreg:$0x1] =	wrdreg $0xFFFFFFFF  }
0xa7: {  	s28 =	simm.s32 $_size_execute0_lowered;
	s2 =	sadd.s32 s2, s4;
	[dreg:$0x0] =	wrdreg $0x0  }
0xa8: {  	s4 =	sshll.u32 s28, $0x1;
	[dreg:$0x2] =	wrdreg s2  }
0xa9: {  	[dreg:$0x3] =	wrdreg s4  }
0xaa: {  	[dreg:$0x4] =	wrdreg $0xC0  }
0xab: {  	_ =	task [dreg:s6], $0x5FFFF  }
0xac: {  	[dreg:$0x1] =	wrdreg $0xFFFFFFFF  }
0xad: {  	[dreg:$0x0] =	wrdreg $0x60  }
0xae: {  	[dreg:$0x2] =	wrdreg s24  }
0xaf: {  	[dreg:$0x3] =	wrdreg $0x41000  }
0xb0: {  	[dreg:$0x4] =	wrdreg $0x9  }
0xb1: {  	_ =	task.clear_ibuf [dreg:s6], $0x5FFFF;
	_ =	strace $0x90000049  }
0xb2: {  	s29 =	simm.s32 $0x9;
	_ =	strace $0x8000004B  }
0xb3: {  	_ =	swait.ge [sflag:s29], $0x1  }
0xb4: {  	[sflag:s29] =	ssyncadd.s32 $0xFFFFFFFF  }
0xb5: {  	_ =	strace $0x9000004B  }
0xb6: {  	_ =	sfence  }
0xb7: {  	s30 =	sld [smem:$0x0];
	_ =	sdelay $0x2  }
0xb8: {  	s31 =	sshll.u32 s1, $0xD;
	s1 =	sshrl.u32 s1, $0x2  }
0xb9: {  	s3 =	sand.u32 $0x4000, s31;
	s1 =	sadd.s32 s1, s30  }
0xba: {  	s0 =	sor.u32 s3, s0;
	s1 =	sshll.u32 s1, $0x11  }
0xbb: {  	s0 =	sor.u32 s1, s0  }
0xbc: {  	s0 =	sadd.s32 $0x8F2B, s0  }
0xbd: {  	[sflag:s0] =	ssyncadd.remote.s32 $0x1  }
0xbe: {  	_ =	sfence.sel $0xFFFF  }
0xbf: {  	[dreg:$0x0] =	wrdreg $0xFFFFFFFF;
	(pc) =	sbr.abs _section_cstart, $3  }
0xc0: {  	[dreg:$0x1] =	wrdreg $0xFFFFFFFF  }
0xc1: {  	_ =	task.clear_ibuf [dreg:s6], $0x2FFFF;
	_ =	strace $0x9FFFFFFF  }
0xc2: {  	(tm) =	ssettm $0x7FFFFFFF  }
0xc3: {  	_ =	shalt  }
tec
execute0_lowered:
.L_overlay_start_1:
0x0: {  	(tag) =	ssettag $0x1  }
0x1: {  	s5 =	rddreg [dreg:$0x0]  }
0x2: {  	s1 =	rddreg [dreg:$0x1]  }
0x3: {  	s0 =	rddreg [dreg:$0x2]  }
0x4: {  	s2 =	stileid.u32;
	s4 =	srdreg.scid  }
0x5: {  	s3 =	simm.s32 $0x0;
	s10 =	simm.s32 $0x64;
	s6 =	smul.u32 $0x1D00, s2  }
0x6: {  	s17 =	simm.s32 $0x2;
	s7 =	sand.u32 $0x1, s4;
	s4 =	smul.u32 $0x3200, s2  }
0x7: {  	s18 =	simm.s32 $0x80;
	s19 =	simm.s32 $0x1;
	s8 =	smul.u32 $0x4F000, s2  }
0x8: {  	s22 =	simm.s32 $0x0;
	[smem:$0x7FF] =	sst s3;
	s14 =	smul.u32 $0x13800, s2  }
0x9: {  	s11 =	sadd.s32 $0x3F200, s5;
	s16 =	smul.u32 $0x4E000, s2;
	s21 =	sadd.s32 $0x138000, s1  }
0xa: {  	p0 =	seq.s32 s7, $0x0;
	_ =	strace $0x8000004A;
	s31 =	ssub.s32 $0x2, s7  }
0xb: {  	s12 =	smul.u32 $0x138800, s7;
	s6 =	sadd.s32 $0x32000, s6;
	s8 =	sshrl.u32 s8, $0x2  }
0xc: {  	s9 =	sshrl.u32 s31, $0x1;
	s10 =	simm.s32 @!p0 $0x3A;
	s16 =	sshrl.u32 s16, $0x2  }
0xd: {  	s6 =	smov.u32 @p0 s4;
	s4 =	sadd.s32 $0x18000, s5;
	s13 =	ssub.s32 s31, s9  }
0xe: {  	s14 =	sadd.s32 s14, s12;
	s12 =	sshrl.u32 s12, $0x3;
	s20 =	sadd.s32 s16, s1  }
0xf: {  	s16 =	simm.s32 $0x100;
	p0 =	sne.s32 s2, $0x0;
	s6 =	sshrl.u32 s6, $0x3  }
0x10: {  	s14 =	sshrl.u32 s14, $0x3;
	s12 =	sadd.s32 s11, s12;
	s13 =	smax.u32 s13, $0x1  }
0x11: {  	s20 =	sshrl.u32 s20, $0x3;
	s21 =	sshrl.u32 @!p0 s21, $0x3;
	s15 =	sadd.s32 s6, s5  }
0x12: {  	s5 =	sadd.s32 s8, s1;
	s11 =	sadd.s32 s11, s14;
	s12 =	sadd.s32 $0x27000, s12  }
0x13: {  	s6 =	sadd.s32 $0x4000, s5;
	s7 =	sadd.s32 $0x8000, s5;
	s8 =	sadd.s32 $0xC000, s5  }
0x14: {  	v0 =	vimm.f32 $0.0e+00;
	s9 =	sadd.s32 $0x10000, s5;
	s14 =	sadd.s32 $0x4400, s15;
	s15 =	sadd.s32 $0xE200, s15  }
.LBB2_1:
0x15: {  	s23 =	sand.u32 $0xFE00, s3  }
0x16: {  	s24 =	sand.u32 $0x70, s3;
	s25 =	sshrl.u32 s23, $0x2  }
0x17: {  	s23 =	simm.s32 $0x40;
	s25 =	sor.u32 s24, s25;
	s24 =	simm.s32 $0x0  }
.LBB2_2:
0x18: {  	p1 =	sne.s32 s23, $0xFFC0  }
0x19: {  	[tilespmem:s25+$0x100] =	vst v0;
	s24 =	sadd.s32 $0x10, s24;
	s25 =	smov.u32 s23;
	s23 =	sadd.s32 $0x40, s23  }
.Ltmp0:
0x1a: {  	(pc) =	sbr.rel @p1 .LBB2_2-.Ltmp0, $4  }
0x1b: {  	_ = 	snop  }
0x1c: {  	s25 =	sand.u32 $0xFE00, s25  }
0x1d: {  	s26 =	sand.u32 $0x70, s24;
	s25 =	sshrl.u32 s25, $0x2  }
0x1e: {  	s25 =	sor.u32 s26, s25  }
0x1f: {  	[tilespmem:s25+$0x100] =	vst v0  }
0x20: {  	[spmem:s5] =	stream.linear.scatter [tilespmem:s16], [sflag:$0x2], $0x4000, $0x38;
	[tilespmem:$0x17D00] =	vst v63  }
0x21: {  	_ =	swait.ge [sflag:s17], $0x4000  }
0x22: {  	[sflag:s17] =	ssyncset.done $0x0  }
0x23: {  	[sflag:s17] =	ssyncadd.s32 $0xFFFFC000  }
0x24: {  	[spmem:s6] =	stream.linear.scatter [tilespmem:s16], [sflag:$0x2], $0x4000, $0x38;
	[tilespmem:$0x17D00] =	vst v63  }
0x25: {  	_ =	swait.ge [sflag:s17], $0x4000  }
0x26: {  	[sflag:s17] =	ssyncset.done $0x0  }
0x27: {  	[sflag:s17] =	ssyncadd.s32 $0xFFFFC000  }
0x28: {  	[spmem:s7] =	stream.linear.scatter [tilespmem:s16], [sflag:$0x2], $0x4000, $0x38;
	[tilespmem:$0x17D00] =	vst v63  }
0x29: {  	_ =	swait.ge [sflag:s17], $0x4000  }
0x2a: {  	[sflag:s17] =	ssyncset.done $0x0  }
0x2b: {  	[sflag:s17] =	ssyncadd.s32 $0xFFFFC000  }
0x2c: {  	[spmem:s8] =	stream.linear.scatter [tilespmem:s16], [sflag:$0x2], $0x4000, $0x38;
	[tilespmem:$0x17D00] =	vst v63  }
0x2d: {  	_ =	swait.ge [sflag:s17], $0x4000  }
0x2e: {  	[sflag:s17] =	ssyncset.done $0x0  }
0x2f: {  	[sflag:s17] =	ssyncadd.s32 $0xFFFFC000  }
0x30: {  	[spmem:s9] =	stream.linear.scatter [tilespmem:s16], [sflag:$0x2], $0x3C00, $0x38;
	[tilespmem:$0x17D00] =	vst v63  }
0x31: {  	_ =	swait.ge [sflag:s17], $0x3C00  }
0x32: {  	[sflag:s17] =	ssyncset.done $0x0  }
0x33: {  	[sflag:s17] =	ssyncadd.s32 $0xFFFFC400  }
0x34: {  	[bflag:$0x0] =	sbarrier.arrive $0xFFFF  }
0x35: {  	[tilespmem:s3], [sflag:$0x2] =	stream.linear.gather [hbm4b:s15+s3], $0x80, $0x38;
	[tilespmem:$0x17D00] =	vst v63  }
0x36: {  	_ =	swait.ge [sflag:s17], $0x80  }
0x37: {  	[sflag:s17] =	ssyncset.done $0x0  }
0x38: {  	[sflag:s17] =	ssyncadd.s32 $0xFFFFFF80  }
0x39: {  	[tilespmem:s18], [sflag:$0x2] =	stream.linear.gather [hbm4b:s14+s3], $0x80, $0x38;
	[tilespmem:$0x17D00] =	vst v63  }
0x3a: {  	_ =	swait.ge [sflag:s17], $0x80  }
0x3b: {  	[sflag:s17] =	ssyncset.done $0x0  }
0x3c: {  	[sflag:s17] =	ssyncadd.s32 $0xFFFFFF80  }
0x3d: {  	[tilespmem:s16], [sflag:$0x1] =	stream.indirect.gather [hbm4b:s4+s18], $0x80, s3, s18, $0xb8;
	[tilespmem:$0x17D00] =	vst v63  }
0x3e: {  	p1 =	sne.s32 s10, $0x1;
	_ =	swait.ge [sflag:s19], $0x4000  }
.Ltmp1:
0x3f: {  	[sflag:s19] =	ssyncset.done $0x0;
	(pc) =	sbr.rel @!p1 .LBB2_5-.Ltmp1, $4  }
0x40: {  	[sflag:s19] =	ssyncadd.s32 $0xFFFFC000  }
0x41: {  	[spmem:s1] =	stream.indirect.scatter.add.f32 [tilespmem:s16], [sflag:$0x2], $0x80, s18, s18, $0xb8;
	[tilespmem:$0x17D00] =	vst v63  }
0x42: {  	s23 =	sadd.s32 $0xFFFFFFFF, s10;
	_ =	swait.ge [sflag:s17], $0x4000  }
0x43: {  	s24 =	smov.u32 s14;
	s25 =	smov.u32 s15;
	[sflag:s17] =	ssyncset.done $0x0  }
.LBB2_4:
0x44: {  	[sflag:s17] =	ssyncadd.s32 $0xFFFFC000;
	s24 =	sadd.s32 $0x10, s24;
	s25 =	sadd.s32 $0x10, s25  }
0x45: {  	[tilespmem:s3], [sflag:$0x2] =	stream.linear.gather [hbm4b:s25+s3], $0x80, $0x38;
	[tilespmem:$0x17D00] =	vst v63  }
0x46: {  	p1 =	sne.s32 s23, $0x1;
	s23 =	sadd.s32 $0xFFFFFFFF, s23;
	_ =	swait.ge [sflag:s17], $0x80  }
0x47: {  	[sflag:s17] =	ssyncset.done $0x0  }
0x48: {  	[sflag:s17] =	ssyncadd.s32 $0xFFFFFF80  }
0x49: {  	[tilespmem:s18], [sflag:$0x2] =	stream.linear.gather [hbm4b:s24+s3], $0x80, $0x38;
	[tilespmem:$0x17D00] =	vst v63  }
0x4a: {  	_ =	swait.ge [sflag:s17], $0x80  }
0x4b: {  	[sflag:s17] =	ssyncset.done $0x0  }
0x4c: {  	[sflag:s17] =	ssyncadd.s32 $0xFFFFFF80  }
0x4d: {  	[tilespmem:s16], [sflag:$0x1] =	stream.indirect.gather [hbm4b:s4+s18], $0x80, s3, s18, $0xb8;
	[tilespmem:$0x17D00] =	vst v63  }
0x4e: {  	_ =	swait.ge [sflag:s19], $0x4000  }
.Ltmp2:
0x4f: {  	[sflag:s19] =	ssyncset.done $0x0;
	(pc) =	sbr.rel @p1 .LBB2_4-.Ltmp2, $4  }
0x50: {  	[sflag:s19] =	ssyncadd.s32 $0xFFFFC000  }
0x51: {  	[spmem:s1] =	stream.indirect.scatter.add.f32 [tilespmem:s16], [sflag:$0x2], $0x80, s18, s18, $0xb8;
	[tilespmem:$0x17D00] =	vst v63  }
0x52: {  	_ =	swait.ge [sflag:s17], $0x4000  }
0x53: {  	[sflag:s17] =	ssyncset.done $0x0  }
.LBB2_5:
0x54: {  	[sflag:s17] =	ssyncadd.s32 $0xFFFFC000;
	s23 =	sshll.u32 s2, $0x6  }
0x55: {  	[bflag:$0x0] =	sbarrier.arrive $0xFFFF;
	s23 =	sor.u32 $0x1C02, s23  }
0x56: {  	[hbm:s11], [sflag:s23] =	dma.local [spmem:s20], $0x2700  }
0x57: {  	_ =	swait.ge [sflag:s17], $0x2700  }
0x58: {  	s22 =	sadd.s32 $0x1, s22;
	[sflag:s17] =	ssyncset.done $0x0  }
0x59: {  	p1 =	sne.s32 s22, s13;
	[sflag:s17] =	ssyncadd.s32 $0xFFFFD900  }
0x5a: {  	[hbm:s12], [sflag:s23] =	dma.local @!p0 [spmem:s21], $0x100  }
.Ltmp3:
0x5b: {  	_ = 	snop;
	(pc) =	sbr.rel @p1 .LBB2_1-.Ltmp3, $4  }
0x5c: {  	s23 =	simm.s32 @!p0 $0x2  }
0x5d: {  	_ =	swait.ge @!p0 [sflag:s23], $0x100  }
0x5e: {  	[sflag:s23] =	ssyncset.done @!p0 $0x0  }
0x5f: {  	[sflag:s23] =	ssyncadd.s32 @!p0 $0xFFFFFF00  }
0x60: {  	_ =	sfence.sel $0x180000  }
0x61: {  	[bflag:$0x0] =	sbarrier.arrive $0xFFFF  }
0x62: {  	_ =	strace $0x9000004A  }
0x63: {  	s0 =	sadd.s32 @!p0 $0x100000, s0;
	[bflag:$0x2] =	sbarrier.arrive $0xFFFF  }
0x64: {  	[sflag:s0] =	ssyncadd.tile.s32 @!p0 $0x1;
	_ =	shalt  }
.Lfunc_end2:
_tile_overlayer_lowered:
.L_overlay_start_2:
0x65: {  	(tag) =	ssettag $0x2  }
0x66: {  	s0 =	rddreg [dreg:$0x0];
	s2 =	stileid.u32  }
0x67: {  	s1 =	rddreg [dreg:$0x1];
	p0 =	sne.s32 s2, $0x0  }
0x68: {  	s3 =	rddreg [dreg:$0x2];
	[bflag:$0x3] =	sbarrier.arrive $0xFFFF;
	s2 =	simm.s32 @!p0 $0x1C02  }
0x69: {  	[timem:s3], [sflag:s2] =	dma.local @!p0 [hbm:s0], s1  }
0x6a: {  	s0 =	simm.s32 @!p0 $0x2  }
0x6b: {  	_ =	swait.ge @!p0 [sflag:s0], s1  }
0x6c: {  	s1 =	ssub.s32 @!p0 $0x0, s1;
	[sflag:s0] =	ssyncset.done @!p0 $0x0  }
0x6d: {  	[sflag:s0] =	ssyncadd.s32 @!p0 s1  }
0x6e: {  	[bflag:$0x3] =	sbarrier.arrive $0xFFFF  }
0x6f: {  	_ =	shalt  }

// kernel: kernel.14.cloned.1.call-start
scs
__scs_entry_jumppad:
0x0: {  	(pc) =	sbr.rel $0x88, $3  }
0x1: {  	(tag) =	ssettag $0x0;
	lr =	simm.s32 $0x1  }
0x2: {  	[smem:$0x3F90] =	sst lr;
	_ =	strace $0xD0000000  }
0x3: {  	_ = 	snop  }
0x4: {  	_ = 	snop  }
0x5: {  	_ = 	snop  }
0x6: {  	_ = 	snop  }
0x7: {  	_ = 	snop  }
__scs_overlays_trampoline_lowered:
0x8: {  	[smem:$0x3F9F] =	sst s0  }
0x9: {  	[smem:$0x3FA0] =	sst s1  }
0xa: {  	[smem:$0x3FA1] =	sst s2  }
0xb: {  	[smem:$0x3FA2] =	sst s3  }
0xc: {  	[smem:$0x3FA3] =	sst s4  }
0xd: {  	[smem:$0x3FA4] =	sst s5  }
0xe: {  	[smem:$0x3FA5] =	sst s6  }
0xf: {  	[smem:$0x3FA6] =	sst s7  }
0x10: {  	[smem:$0x3FA7] =	sst s8  }
0x11: {  	[smem:$0x3FA8] =	sst s9;
	s0 =	simm.s32 @!p0 $0x0  }
0x12: {  	s1 =	sld [smem:$0x3F8E];
	s0 =	simm.s32 @p0 $0x1  }
0x13: {  	[smem:$0x3FA9] =	sst s0;
	s0 =	simm.s32 @!p1 $0x0  }
0x14: {  	s2 =	sld [smem:$0x3F8D];
	s0 =	simm.s32 @p1 $0x1  }
0x15: {  	[smem:$0x3FAA] =	sst s0;
	s0 =	simm.s32 @!p2 $0x0  }
0x16: {  	s3 =	sld [smem:$0x3FDB];
	s0 =	simm.s32 @p2 $0x1  }
0x17: {  	s4 =	simm.s32 $0x1BF5;
	[smem:$0x3FAC] =	sst s0  }
0x18: {  	s0 =	sld [smem:$0x3F8F];
	_ =	swait.ge [sflag:s4], $0x0  }
0x19: {  	s7 =	sld [smem:$0x3F90]  }
0x1a: {  	s8 =	sadd.s32 $0xFFFFE003, lr  }
0x1b: {  	s9 =	sadd.s32 $0xFFFFFEF7, lr;
	s5 =	simm.s32 $0xFFFFFFFF;
	p2 =	slt.u32 s8, $0xFFFFF086  }
0x1c: {  	p1 =	slt.u32 s9, $0xF7A;
	s5 =	simm.s32 @!p2 $0x0  }
0x1d: {  	s5 =	simm.s32 @p1 $0x1;
	p0 =	seq.s32 s7, s2  }
0x1e: {  	s7 =	smul.u32 @!p0 $0xF7A, s2;
	p2 =	seq.s32 @!p0 s5, $0x0  }
0x1f: {  	s9 =	smul.u32 $0xF7A, s1;
	s8 =	simm.s32 @!p0 $0x1BF5;
	p2 =	por !p2, p0  }
0x20: {  	[sflag:s8] =	ssyncset.s32 @!p0 $0xFFFFF086;
	s6 =	sadd.s32 @!p0 s3, s7;
	s7 =	simm.s32 @!p0 $0x108  }
0x21: {  	s3 =	sadd.s32 s3, s9;
	s6 =	sadd.s32 @!p0 $0x88, s6;
	s7 =	simm.s32 @p2 $0x1082  }
0x22: {  	[simem:s7], [sflag:s8] =	dma.local @!p0 [hbm:s6], $0xF7A  }
0x23: {  	s9 =	sor.u32 $0xD0000000, s2;
	s6 =	simm.s32 $0x108;
	_ =	swait.ge @!p0 [sflag:s8], $0x0  }
0x24: {  	s3 =	sadd.s32 $0x88, s3;
	s6 =	simm.s32 @!p1 $0x1082;
	[sflag:s4] =	ssyncset.s32 $0xFFFFF086  }
0x25: {  	[simem:s6], [sflag:s4] =	dma.local [hbm:s3], $0xF7A  }
0x26: {  	[smem:$0x3F90] =	sst s1;
	(tag) =	ssettag s2;
	_ =	strace s9  }
0x27: {  	s1 =	sld [smem:$0x3FA0]  }
0x28: {  	s2 =	sld [smem:$0x3FA1]  }
0x29: {  	s4 =	sld [smem:$0x3FA3]  }
0x2a: {  	p0 =	seq.s32 s5, $0x0;
	s5 =	sld [smem:$0x3FA4]  }
0x2b: {  	s6 =	sld [smem:$0x3FA5]  }
0x2c: {  	s7 =	sld [smem:$0x3FA6]  }
0x2d: {  	s3 =	simm.s32 $0x108;
	s8 =	sld [smem:$0x3FA7]  }
0x2e: {  	s3 =	simm.s32 @!p0 $0x1082;
	s9 =	sld [smem:$0x3FA8]  }
0x2f: {  	lr =	sadd.s32 s0, s3;
	s0 =	sld [smem:$0x3F9F]  }
0x30: {  	s3 =	sld [smem:$0x3FA2]  }
0x31: {  	[smem:$0x3FAB] =	sst s10  }
0x32: {  	s10 =	sld [smem:$0x3FA9];
	_ =	sdelay $0x3  }
0x33: {  	p0 =	seq.s32 s10, $0x1;
	s10 =	sld [smem:$0x3FAB];
	_ =	sdelay $0x3  }
0x34: {  	[smem:$0x3FAB] =	sst s10  }
0x35: {  	s10 =	sld [smem:$0x3FAA];
	_ =	sdelay $0x3  }
0x36: {  	p1 =	seq.s32 s10, $0x1;
	s10 =	sld [smem:$0x3FAB];
	_ =	sdelay $0x3  }
0x37: {  	[smem:$0x3FAB] =	sst s10  }
0x38: {  	s10 =	sld [smem:$0x3FAC]  }
0x39: {  	_ = 	snop;
	(pc) =	sbr.ind lr, $3  }
0x3a: {  	_ = 	snop  }
0x3b: {  	_ = 	snop  }
0x3c: {  	p2 =	seq.s32 s10, $0x1;
	s10 =	sld [smem:$0x3FAB]  }
0x3d: {  	_ =	shalt  }
0x3e: {  	_ =	shalt  }
0x3f: {  	_ =	shalt  }
0x40: {  	_ =	shalt  }
0x41: {  	_ =	shalt  }
0x42: {  	_ =	shalt  }
0x43: {  	_ =	shalt  }
0x44: {  	_ =	shalt  }
0x45: {  	_ =	shalt  }
0x46: {  	_ =	shalt  }
0x47: {  	_ =	shalt  }
0x48: {  	_ =	shalt  }
0x49: {  	_ =	shalt  }
0x4a: {  	_ =	shalt  }
0x4b: {  	_ =	shalt  }
0x4c: {  	_ =	shalt  }
0x4d: {  	_ =	shalt  }
0x4e: {  	_ =	shalt  }
0x4f: {  	_ =	shalt  }
0x50: {  	_ =	shalt  }
0x51: {  	_ =	shalt  }
0x52: {  	_ =	shalt  }
0x53: {  	_ =	shalt  }
0x54: {  	_ =	shalt  }
0x55: {  	_ =	shalt  }
0x56: {  	_ =	shalt  }
0x57: {  	_ =	shalt  }
0x58: {  	_ =	shalt  }
0x59: {  	_ =	shalt  }
0x5a: {  	_ =	shalt  }
0x5b: {  	_ =	shalt  }
0x5c: {  	_ =	shalt  }
0x5d: {  	_ =	shalt  }
0x5e: {  	_ =	shalt  }
0x5f: {  	_ =	shalt  }
0x60: {  	_ =	shalt  }
0x61: {  	_ =	shalt  }
0x62: {  	_ =	shalt  }
0x63: {  	_ =	shalt  }
0x64: {  	_ =	shalt  }
0x65: {  	_ =	shalt  }
0x66: {  	_ =	shalt  }
0x67: {  	_ =	shalt  }
0x68: {  	_ =	shalt  }
0x69: {  	_ =	shalt  }
0x6a: {  	_ =	shalt  }
0x6b: {  	_ =	shalt  }
0x6c: {  	_ =	shalt  }
0x6d: {  	_ =	shalt  }
0x6e: {  	_ =	shalt  }
0x6f: {  	_ =	shalt  }
0x70: {  	_ =	shalt  }
0x71: {  	_ =	shalt  }
0x72: {  	_ =	shalt  }
0x73: {  	_ =	shalt  }
0x74: {  	_ =	shalt  }
0x75: {  	_ =	shalt  }
0x76: {  	_ =	shalt  }
0x77: {  	_ =	shalt  }
0x78: {  	_ =	shalt  }
0x79: {  	_ =	shalt  }
0x7a: {  	_ =	shalt  }
0x7b: {  	_ =	shalt  }
0x7c: {  	_ =	shalt  }
0x7d: {  	_ =	shalt  }
0x7e: {  	_ =	shalt  }
0x7f: {  	_ =	shalt  }
0x80: {  	_ =	shalt  }
0x81: {  	_ =	shalt  }
0x82: {  	_ =	shalt  }
0x83: {  	_ =	shalt  }
0x84: {  	_ =	shalt  }
0x85: {  	_ =	shalt  }
0x86: {  	_ =	shalt  }
0x87: {  	_ =	shalt  }
.Lfunc_end0:
.L_simem_size_0:
called_computation.2_lowered:
.L_overlay_start_0:
0x88: {  	s2 =	sld [smem:$0x3FD9]  }
0x89: {  	s3 =	sld [smem:$0x3FFE];
	_ =	sdelay $0x1  }
0x8a: {  	s1 =	srdreg.scid  }
0x8b: {  	s0 =	sand.u32 $0x1, s1  }
0x8c: {  	s16 =	sshll.u32 s0, $0xA;
	s2 =	sadd.s32 s3, s2  }
0x8d: {  	s2 =	sadd.s32 s2, s16  }
0x8e: {  	[smem:$0x3FB7] =	sst s2  }
0x8f: {  	_ = 	snop  }
0x90: {  	(tm) =	ssettm $0x1  }
0x91: {  	s17 =	sld [smem:$0x3FFB];
	_ =	sdelay $0x3  }
0x92: {  	_ =	strace s17  }
0x93: {  	s2 =	sld [smem:$0x3FFC];
	_ =	sdelay $0x3  }
0x94: {  	_ =	strace s2  }
0x95: {  	s2 =	sld [smem:$0x3FFD];
	_ =	sdelay $0x3  }
0x96: {  	_ =	strace s2  }
0x97: {  	_ =	strace $0x8FFFFFFF  }
0x98: {  	s18 =	sld [smem:$0x3FDB];
	_ =	sdelay $0x1  }
0x99: {  	s19 =	simm.s32 $_scs_section_size  }
0x9a: {  	s4 =	simm.s32 $_size__tile_overlayer_lowered;
	s5 =	simm.s32 $_tile_overlayer_lowered  }
0x9b: {  	s22 =	simm.s32 $0x1BFF;
	s21 =	sshll.u32 s5, $0x1;
	s2 =	sadd.s32 s19, s18  }
0x9c: {  	s6 =	simm.s32 $0x0;
	s20 =	sshll.u32 s4, $0x1;
	s4 =	sadd.s32 s21, s2  }
0x9d: {  	[timem:s6], [sflag:s22] =	dma.local [hbm:s4], s20  }
0x9e: {  	_ =	swait.ge [sflag:s22], s20  }
0x9f: {  	s3 =	ssub.s32 $0x0, s20;
	[sflag:s22] =	ssyncset.done $0x0  }
0xa0: {  	[sflag:s22] =	ssyncadd.s32 s3;
	_ =	sdelay $0x1  }
0xa1: {  	s23 =	simm.s32 $0x1B8B  }
0xa2: {  	_ =	swait.ge [sflag:s23], $0x1  }
0xa3: {  	[sflag:s23] =	ssyncset.done $0x0  }
0xa4: {  	s25 =	simm.s32 $0x1B8E;
	s24 =	sld [smem:$0x3FFE];
	[sflag:s23] =	ssyncadd.s32 $0xFFFFFFFF  }
0xa5: {  	s26 =	simm.s32 $execute0_lowered;
	[smem:$0x3FD2] =	sst s25  }
0xa6: {  	s4 =	sshll.u32 s26, $0x1;
	_ =	strace $0x8000004C;
	[dreg:$0x1] =	wrdreg $0xFFFFFFFF  }
0xa7: {  	s28 =	simm.s32 $_size_execute0_lowered;
	s2 =	sadd.s32 s2, s4;
	[dreg:$0x0] =	wrdreg $0x0  }
0xa8: {  	s4 =	sshll.u32 s28, $0x1;
	[dreg:$0x2] =	wrdreg s2  }
0xa9: {  	[dreg:$0x3] =	wrdreg s4  }
0xaa: {  	[dreg:$0x4] =	wrdreg $0xC0  }
0xab: {  	_ =	task [dreg:s6], $0x5FFFF  }
0xac: {  	[dreg:$0x1] =	wrdreg $0xFFFFFFFF  }
0xad: {  	[dreg:$0x0] =	wrdreg $0x60  }
0xae: {  	[dreg:$0x2] =	wrdreg s24  }
0xaf: {  	[dreg:$0x3] =	wrdreg $0x41000  }
0xb0: {  	[dreg:$0x4] =	wrdreg $0x9  }
0xb1: {  	_ =	task.clear_ibuf [dreg:s6], $0x5FFFF;
	_ =	strace $0x9000004C  }
0xb2: {  	s29 =	simm.s32 $0x9;
	_ =	strace $0x8000004E  }
0xb3: {  	_ =	swait.ge [sflag:s29], $0x1  }
0xb4: {  	[sflag:s29] =	ssyncadd.s32 $0xFFFFFFFF  }
0xb5: {  	_ =	strace $0x9000004E  }
0xb6: {  	_ =	sfence  }
0xb7: {  	s30 =	sld [smem:$0x0];
	_ =	sdelay $0x2  }
0xb8: {  	s31 =	sshll.u32 s1, $0xD;
	s1 =	sshrl.u32 s1, $0x2  }
0xb9: {  	s3 =	sand.u32 $0x4000, s31;
	s1 =	sadd.s32 s1, s30  }
0xba: {  	s0 =	sor.u32 s3, s0;
	s1 =	sshll.u32 s1, $0x11  }
0xbb: {  	s0 =	sor.u32 s1, s0  }
0xbc: {  	s0 =	sadd.s32 $0x8F2B, s0  }
0xbd: {  	[sflag:s0] =	ssyncadd.remote.s32 $0x1  }
0xbe: {  	_ =	sfence.sel $0xFFFF  }
0xbf: {  	[dreg:$0x0] =	wrdreg $0xFFFFFFFF;
	(pc) =	sbr.abs _section_cstart, $3  }
0xc0: {  	[dreg:$0x1] =	wrdreg $0xFFFFFFFF  }
0xc1: {  	_ =	task.clear_ibuf [dreg:s6], $0x2FFFF;
	_ =	strace $0x9FFFFFFF  }
0xc2: {  	(tm) =	ssettm $0x7FFFFFFF  }
0xc3: {  	_ =	shalt  }
tec
execute0_lowered:
.L_overlay_start_1:
0x0: {  	(tag) =	ssettag $0x1  }
0x1: {  	s5 =	rddreg [dreg:$0x0]  }
0x2: {  	s1 =	rddreg [dreg:$0x1]  }
0x3: {  	s0 =	rddreg [dreg:$0x2]  }
0x4: {  	s2 =	stileid.u32;
	s4 =	srdreg.scid  }
0x5: {  	s3 =	simm.s32 $0x0;
	s10 =	simm.s32 $0x64;
	s6 =	smul.u32 $0x1D00, s2  }
0x6: {  	s17 =	simm.s32 $0x2;
	s7 =	sand.u32 $0x1, s4;
	s4 =	smul.u32 $0x3200, s2  }
0x7: {  	s18 =	simm.s32 $0x80;
	s19 =	simm.s32 $0x1;
	s8 =	smul.u32 $0x4F000, s2  }
0x8: {  	s22 =	simm.s32 $0x0;
	[smem:$0x7FF] =	sst s3;
	s14 =	smul.u32 $0x13800, s2  }
0x9: {  	s11 =	sadd.s32 $0x3F200, s5;
	s16 =	smul.u32 $0x4E000, s2;
	s21 =	sadd.s32 $0x138000, s1  }
0xa: {  	p0 =	seq.s32 s7, $0x0;
	_ =	strace $0x8000004D;
	s31 =	ssub.s32 $0x2, s7  }
0xb: {  	s12 =	smul.u32 $0x138800, s7;
	s6 =	sadd.s32 $0x32000, s6;
	s8 =	sshrl.u32 s8, $0x2  }
0xc: {  	s9 =	sshrl.u32 s31, $0x1;
	s10 =	simm.s32 @!p0 $0x3A;
	s16 =	sshrl.u32 s16, $0x2  }
0xd: {  	s6 =	smov.u32 @p0 s4;
	s4 =	sadd.s32 $0x18000, s5;
	s13 =	ssub.s32 s31, s9  }
0xe: {  	s14 =	sadd.s32 s14, s12;
	s12 =	sshrl.u32 s12, $0x3;
	s20 =	sadd.s32 s16, s1  }
0xf: {  	s16 =	simm.s32 $0x100;
	p0 =	sne.s32 s2, $0x0;
	s6 =	sshrl.u32 s6, $0x3  }
0x10: {  	s14 =	sshrl.u32 s14, $0x3;
	s12 =	sadd.s32 s11, s12;
	s13 =	smax.u32 s13, $0x1  }
0x11: {  	s20 =	sshrl.u32 s20, $0x3;
	s21 =	sshrl.u32 @!p0 s21, $0x3;
	s15 =	sadd.s32 s6, s5  }
0x12: {  	s5 =	sadd.s32 s8, s1;
	s11 =	sadd.s32 s11, s14;
	s12 =	sadd.s32 $0x27000, s12  }
0x13: {  	s6 =	sadd.s32 $0x4000, s5;
	s7 =	sadd.s32 $0x8000, s5;
	s8 =	sadd.s32 $0xC000, s5  }
0x14: {  	v0 =	vimm.f32 $0.0e+00;
	s9 =	sadd.s32 $0x10000, s5;
	s14 =	sadd.s32 $0x4400, s15;
	s15 =	sadd.s32 $0xE200, s15  }
.LBB2_1:
0x15: {  	s23 =	sand.u32 $0xFE00, s3  }
0x16: {  	s24 =	sand.u32 $0x70, s3;
	s25 =	sshrl.u32 s23, $0x2  }
0x17: {  	s23 =	simm.s32 $0x40;
	s25 =	sor.u32 s24, s25;
	s24 =	simm.s32 $0x0  }
.LBB2_2:
0x18: {  	p1 =	sne.s32 s23, $0xFFC0  }
0x19: {  	[tilespmem:s25+$0x100] =	vst v0;
	s24 =	sadd.s32 $0x10, s24;
	s25 =	smov.u32 s23;
	s23 =	sadd.s32 $0x40, s23  }
.Ltmp0:
0x1a: {  	(pc) =	sbr.rel @p1 .LBB2_2-.Ltmp0, $4  }
0x1b: {  	_ = 	snop  }
0x1c: {  	s25 =	sand.u32 $0xFE00, s25  }
0x1d: {  	s26 =	sand.u32 $0x70, s24;
	s25 =	sshrl.u32 s25, $0x2  }
0x1e: {  	s25 =	sor.u32 s26, s25  }
0x1f: {  	[tilespmem:s25+$0x100] =	vst v0  }
0x20: {  	[spmem:s5] =	stream.linear.scatter [tilespmem:s16], [sflag:$0x2], $0x4000, $0x38;
	[tilespmem:$0x17D00] =	vst v63  }
0x21: {  	_ =	swait.ge [sflag:s17], $0x4000  }
0x22: {  	[sflag:s17] =	ssyncset.done $0x0  }
0x23: {  	[sflag:s17] =	ssyncadd.s32 $0xFFFFC000  }
0x24: {  	[spmem:s6] =	stream.linear.scatter [tilespmem:s16], [sflag:$0x2], $0x4000, $0x38;
	[tilespmem:$0x17D00] =	vst v63  }
0x25: {  	_ =	swait.ge [sflag:s17], $0x4000  }
0x26: {  	[sflag:s17] =	ssyncset.done $0x0  }
0x27: {  	[sflag:s17] =	ssyncadd.s32 $0xFFFFC000  }
0x28: {  	[spmem:s7] =	stream.linear.scatter [tilespmem:s16], [sflag:$0x2], $0x4000, $0x38;
	[tilespmem:$0x17D00] =	vst v63  }
0x29: {  	_ =	swait.ge [sflag:s17], $0x4000  }
0x2a: {  	[sflag:s17] =	ssyncset.done $0x0  }
0x2b: {  	[sflag:s17] =	ssyncadd.s32 $0xFFFFC000  }
0x2c: {  	[spmem:s8] =	stream.linear.scatter [tilespmem:s16], [sflag:$0x2], $0x4000, $0x38;
	[tilespmem:$0x17D00] =	vst v63  }
0x2d: {  	_ =	swait.ge [sflag:s17], $0x4000  }
0x2e: {  	[sflag:s17] =	ssyncset.done $0x0  }
0x2f: {  	[sflag:s17] =	ssyncadd.s32 $0xFFFFC000  }
0x30: {  	[spmem:s9] =	stream.linear.scatter [tilespmem:s16], [sflag:$0x2], $0x3C00, $0x38;
	[tilespmem:$0x17D00] =	vst v63  }
0x31: {  	_ =	swait.ge [sflag:s17], $0x3C00  }
0x32: {  	[sflag:s17] =	ssyncset.done $0x0  }
0x33: {  	[sflag:s17] =	ssyncadd.s32 $0xFFFFC400  }
0x34: {  	[bflag:$0x0] =	sbarrier.arrive $0xFFFF  }
0x35: {  	[tilespmem:s3], [sflag:$0x2] =	stream.linear.gather [hbm4b:s15+s3], $0x80, $0x38;
	[tilespmem:$0x17D00] =	vst v63  }
0x36: {  	_ =	swait.ge [sflag:s17], $0x80  }
0x37: {  	[sflag:s17] =	ssyncset.done $0x0  }
0x38: {  	[sflag:s17] =	ssyncadd.s32 $0xFFFFFF80  }
0x39: {  	[tilespmem:s18], [sflag:$0x2] =	stream.linear.gather [hbm4b:s14+s3], $0x80, $0x38;
	[tilespmem:$0x17D00] =	vst v63  }
0x3a: {  	_ =	swait.ge [sflag:s17], $0x80  }
0x3b: {  	[sflag:s17] =	ssyncset.done $0x0  }
0x3c: {  	[sflag:s17] =	ssyncadd.s32 $0xFFFFFF80  }
0x3d: {  	[tilespmem:s16], [sflag:$0x1] =	stream.indirect.gather [hbm4b:s4+s18], $0x80, s3, s18, $0xb8;
	[tilespmem:$0x17D00] =	vst v63  }
0x3e: {  	p1 =	sne.s32 s10, $0x1;
	_ =	swait.ge [sflag:s19], $0x4000  }
.Ltmp1:
0x3f: {  	[sflag:s19] =	ssyncset.done $0x0;
	(pc) =	sbr.rel @!p1 .LBB2_5-.Ltmp1, $4  }
0x40: {  	[sflag:s19] =	ssyncadd.s32 $0xFFFFC000  }
0x41: {  	[spmem:s1] =	stream.indirect.scatter.add.f32 [tilespmem:s16], [sflag:$0x2], $0x80, s18, s18, $0xb8;
	[tilespmem:$0x17D00] =	vst v63  }
0x42: {  	s23 =	sadd.s32 $0xFFFFFFFF, s10;
	_ =	swait.ge [sflag:s17], $0x4000  }
0x43: {  	s24 =	smov.u32 s14;
	s25 =	smov.u32 s15;
	[sflag:s17] =	ssyncset.done $0x0  }
.LBB2_4:
0x44: {  	[sflag:s17] =	ssyncadd.s32 $0xFFFFC000;
	s24 =	sadd.s32 $0x10, s24;
	s25 =	sadd.s32 $0x10, s25  }
0x45: {  	[tilespmem:s3], [sflag:$0x2] =	stream.linear.gather [hbm4b:s25+s3], $0x80, $0x38;
	[tilespmem:$0x17D00] =	vst v63  }
0x46: {  	p1 =	sne.s32 s23, $0x1;
	s23 =	sadd.s32 $0xFFFFFFFF, s23;
	_ =	swait.ge [sflag:s17], $0x80  }
0x47: {  	[sflag:s17] =	ssyncset.done $0x0  }
0x48: {  	[sflag:s17] =	ssyncadd.s32 $0xFFFFFF80  }
0x49: {  	[tilespmem:s18], [sflag:$0x2] =	stream.linear.gather [hbm4b:s24+s3], $0x80, $0x38;
	[tilespmem:$0x17D00] =	vst v63  }
0x4a: {  	_ =	swait.ge [sflag:s17], $0x80  }
0x4b: {  	[sflag:s17] =	ssyncset.done $0x0  }
0x4c: {  	[sflag:s17] =	ssyncadd.s32 $0xFFFFFF80  }
0x4d: {  	[tilespmem:s16], [sflag:$0x1] =	stream.indirect.gather [hbm4b:s4+s18], $0x80, s3, s18, $0xb8;
	[tilespmem:$0x17D00] =	vst v63  }
0x4e: {  	_ =	swait.ge [sflag:s19], $0x4000  }
.Ltmp2:
0x4f: {  	[sflag:s19] =	ssyncset.done $0x0;
	(pc) =	sbr.rel @p1 .LBB2_4-.Ltmp2, $4  }
0x50: {  	[sflag:s19] =	ssyncadd.s32 $0xFFFFC000  }
0x51: {  	[spmem:s1] =	stream.indirect.scatter.add.f32 [tilespmem:s16], [sflag:$0x2], $0x80, s18, s18, $0xb8;
	[tilespmem:$0x17D00] =	vst v63  }
0x52: {  	_ =	swait.ge [sflag:s17], $0x4000  }
0x53: {  	[sflag:s17] =	ssyncset.done $0x0  }
.LBB2_5:
0x54: {  	[sflag:s17] =	ssyncadd.s32 $0xFFFFC000;
	s23 =	sshll.u32 s2, $0x6  }
0x55: {  	[bflag:$0x0] =	sbarrier.arrive $0xFFFF;
	s23 =	sor.u32 $0x1C02, s23  }
0x56: {  	[hbm:s11], [sflag:s23] =	dma.local [spmem:s20], $0x2700  }
0x57: {  	_ =	swait.ge [sflag:s17], $0x2700  }
0x58: {  	s22 =	sadd.s32 $0x1, s22;
	[sflag:s17] =	ssyncset.done $0x0  }
0x59: {  	p1 =	sne.s32 s22, s13;
	[sflag:s17] =	ssyncadd.s32 $0xFFFFD900  }
0x5a: {  	[hbm:s12], [sflag:s23] =	dma.local @!p0 [spmem:s21], $0x100  }
.Ltmp3:
0x5b: {  	_ = 	snop;
	(pc) =	sbr.rel @p1 .LBB2_1-.Ltmp3, $4  }
0x5c: {  	s23 =	simm.s32 @!p0 $0x2  }
0x5d: {  	_ =	swait.ge @!p0 [sflag:s23], $0x100  }
0x5e: {  	[sflag:s23] =	ssyncset.done @!p0 $0x0  }
0x5f: {  	[sflag:s23] =	ssyncadd.s32 @!p0 $0xFFFFFF00  }
0x60: {  	_ =	sfence.sel $0x180000  }
0x61: {  	[bflag:$0x0] =	sbarrier.arrive $0xFFFF  }
0x62: {  	_ =	strace $0x9000004D  }
0x63: {  	s0 =	sadd.s32 @!p0 $0x100000, s0;
	[bflag:$0x2] =	sbarrier.arrive $0xFFFF  }
0x64: {  	[sflag:s0] =	ssyncadd.tile.s32 @!p0 $0x1;
	_ =	shalt  }
.Lfunc_end2:
_tile_overlayer_lowered:
.L_overlay_start_2:
0x65: {  	(tag) =	ssettag $0x2  }
0x66: {  	s0 =	rddreg [dreg:$0x0];
	s2 =	stileid.u32  }
0x67: {  	s1 =	rddreg [dreg:$0x1];
	p0 =	sne.s32 s2, $0x0  }
0x68: {  	s3 =	rddreg [dreg:$0x2];
	[bflag:$0x3] =	sbarrier.arrive $0xFFFF;
	s2 =	simm.s32 @!p0 $0x1C02  }
0x69: {  	[timem:s3], [sflag:s2] =	dma.local @!p0 [hbm:s0], s1  }
0x6a: {  	s0 =	simm.s32 @!p0 $0x2  }
0x6b: {  	_ =	swait.ge @!p0 [sflag:s0], s1  }
0x6c: {  	s1 =	ssub.s32 @!p0 $0x0, s1;
	[sflag:s0] =	ssyncset.done @!p0 $0x0  }
0x6d: {  	[sflag:s0] =	ssyncadd.s32 @!p0 s1  }
0x6e: {  	[bflag:$0x3] =	sbarrier.arrive $0xFFFF  }
0x6f: {  	_ =	shalt  }

// kernel: kernel.8.cloned.1.call-start
scs
__scs_entry_jumppad:
0x0: {  	(pc) =	sbr.rel $0x88, $3  }
0x1: {  	(tag) =	ssettag $0x0;
	lr =	simm.s32 $0x1  }
0x2: {  	[smem:$0x3F90] =	sst lr;
	_ =	strace $0xD0000000  }
0x3: {  	_ = 	snop  }
0x4: {  	_ = 	snop  }
0x5: {  	_ = 	snop  }
0x6: {  	_ = 	snop  }
0x7: {  	_ = 	snop  }
__scs_overlays_trampoline_lowered:
0x8: {  	[smem:$0x3F9F] =	sst s0  }
0x9: {  	[smem:$0x3FA0] =	sst s1  }
0xa: {  	[smem:$0x3FA1] =	sst s2  }
0xb: {  	[smem:$0x3FA2] =	sst s3  }
0xc: {  	[smem:$0x3FA3] =	sst s4  }
0xd: {  	[smem:$0x3FA4] =	sst s5  }
0xe: {  	[smem:$0x3FA5] =	sst s6  }
0xf: {  	[smem:$0x3FA6] =	sst s7  }
0x10: {  	[smem:$0x3FA7] =	sst s8  }
0x11: {  	[smem:$0x3FA8] =	sst s9;
	s0 =	simm.s32 @!p0 $0x0  }
0x12: {  	s1 =	sld [smem:$0x3F8E];
	s0 =	simm.s32 @p0 $0x1  }
0x13: {  	[smem:$0x3FA9] =	sst s0;
	s0 =	simm.s32 @!p1 $0x0  }
0x14: {  	s2 =	sld [smem:$0x3F8D];
	s0 =	simm.s32 @p1 $0x1  }
0x15: {  	[smem:$0x3FAA] =	sst s0;
	s0 =	simm.s32 @!p2 $0x0  }
0x16: {  	s3 =	sld [smem:$0x3FDB];
	s0 =	simm.s32 @p2 $0x1  }
0x17: {  	s4 =	simm.s32 $0x1BF5;
	[smem:$0x3FAC] =	sst s0  }
0x18: {  	s0 =	sld [smem:$0x3F8F];
	_ =	swait.ge [sflag:s4], $0x0  }
0x19: {  	s7 =	sld [smem:$0x3F90]  }
0x1a: {  	s8 =	sadd.s32 $0xFFFFE003, lr  }
0x1b: {  	s9 =	sadd.s32 $0xFFFFFEF7, lr;
	s5 =	simm.s32 $0xFFFFFFFF;
	p2 =	slt.u32 s8, $0xFFFFF086  }
0x1c: {  	p1 =	slt.u32 s9, $0xF7A;
	s5 =	simm.s32 @!p2 $0x0  }
0x1d: {  	s5 =	simm.s32 @p1 $0x1;
	p0 =	seq.s32 s7, s2  }
0x1e: {  	s7 =	smul.u32 @!p0 $0xF7A, s2;
	p2 =	seq.s32 @!p0 s5, $0x0  }
0x1f: {  	s9 =	smul.u32 $0xF7A, s1;
	s8 =	simm.s32 @!p0 $0x1BF5;
	p2 =	por !p2, p0  }
0x20: {  	[sflag:s8] =	ssyncset.s32 @!p0 $0xFFFFF086;
	s6 =	sadd.s32 @!p0 s3, s7;
	s7 =	simm.s32 @!p0 $0x108  }
0x21: {  	s3 =	sadd.s32 s3, s9;
	s6 =	sadd.s32 @!p0 $0x88, s6;
	s7 =	simm.s32 @p2 $0x1082  }
0x22: {  	[simem:s7], [sflag:s8] =	dma.local @!p0 [hbm:s6], $0xF7A  }
0x23: {  	s9 =	sor.u32 $0xD0000000, s2;
	s6 =	simm.s32 $0x108;
	_ =	swait.ge @!p0 [sflag:s8], $0x0  }
0x24: {  	s3 =	sadd.s32 $0x88, s3;
	s6 =	simm.s32 @!p1 $0x1082;
	[sflag:s4] =	ssyncset.s32 $0xFFFFF086  }
0x25: {  	[simem:s6], [sflag:s4] =	dma.local [hbm:s3], $0xF7A  }
0x26: {  	[smem:$0x3F90] =	sst s1;
	(tag) =	ssettag s2;
	_ =	strace s9  }
0x27: {  	s1 =	sld [smem:$0x3FA0]  }
0x28: {  	s2 =	sld [smem:$0x3FA1]  }
0x29: {  	s4 =	sld [smem:$0x3FA3]  }
0x2a: {  	p0 =	seq.s32 s5, $0x0;
	s5 =	sld [smem:$0x3FA4]  }
0x2b: {  	s6 =	sld [smem:$0x3FA5]  }
0x2c: {  	s7 =	sld [smem:$0x3FA6]  }
0x2d: {  	s3 =	simm.s32 $0x108;
	s8 =	sld [smem:$0x3FA7]  }
0x2e: {  	s3 =	simm.s32 @!p0 $0x1082;
	s9 =	sld [smem:$0x3FA8]  }
0x2f: {  	lr =	sadd.s32 s0, s3;
	s0 =	sld [smem:$0x3F9F]  }
0x30: {  	s3 =	sld [smem:$0x3FA2]  }
0x31: {  	[smem:$0x3FAB] =	sst s10  }
0x32: {  	s10 =	sld [smem:$0x3FA9];
	_ =	sdelay $0x3  }
0x33: {  	p0 =	seq.s32 s10, $0x1;
	s10 =	sld [smem:$0x3FAB];
	_ =	sdelay $0x3  }
0x34: {  	[smem:$0x3FAB] =	sst s10  }
0x35: {  	s10 =	sld [smem:$0x3FAA];
	_ =	sdelay $0x3  }
0x36: {  	p1 =	seq.s32 s10, $0x1;
	s10 =	sld [smem:$0x3FAB];
	_ =	sdelay $0x3  }
0x37: {  	[smem:$0x3FAB] =	sst s10  }
0x38: {  	s10 =	sld [smem:$0x3FAC]  }
0x39: {  	_ = 	snop;
	(pc) =	sbr.ind lr, $3  }
0x3a: {  	_ = 	snop  }
0x3b: {  	_ = 	snop  }
0x3c: {  	p2 =	seq.s32 s10, $0x1;
	s10 =	sld [smem:$0x3FAB]  }
0x3d: {  	_ =	shalt  }
0x3e: {  	_ =	shalt  }
0x3f: {  	_ =	shalt  }
0x40: {  	_ =	shalt  }
0x41: {  	_ =	shalt  }
0x42: {  	_ =	shalt  }
0x43: {  	_ =	shalt  }
0x44: {  	_ =	shalt  }
0x45: {  	_ =	shalt  }
0x46: {  	_ =	shalt  }
0x47: {  	_ =	shalt  }
0x48: {  	_ =	shalt  }
0x49: {  	_ =	shalt  }
0x4a: {  	_ =	shalt  }
0x4b: {  	_ =	shalt  }
0x4c: {  	_ =	shalt  }
0x4d: {  	_ =	shalt  }
0x4e: {  	_ =	shalt  }
0x4f: {  	_ =	shalt  }
0x50: {  	_ =	shalt  }
0x51: {  	_ =	shalt  }
0x52: {  	_ =	shalt  }
0x53: {  	_ =	shalt  }
0x54: {  	_ =	shalt  }
0x55: {  	_ =	shalt  }
0x56: {  	_ =	shalt  }
0x57: {  	_ =	shalt  }
0x58: {  	_ =	shalt  }
0x59: {  	_ =	shalt  }
0x5a: {  	_ =	shalt  }
0x5b: {  	_ =	shalt  }
0x5c: {  	_ =	shalt  }
0x5d: {  	_ =	shalt  }
0x5e: {  	_ =	shalt  }
0x5f: {  	_ =	shalt  }
0x60: {  	_ =	shalt  }
0x61: {  	_ =	shalt  }
0x62: {  	_ =	shalt  }
0x63: {  	_ =	shalt  }
0x64: {  	_ =	shalt  }
0x65: {  	_ =	shalt  }
0x66: {  	_ =	shalt  }
0x67: {  	_ =	shalt  }
0x68: {  	_ =	shalt  }
0x69: {  	_ =	shalt  }
0x6a: {  	_ =	shalt  }
0x6b: {  	_ =	shalt  }
0x6c: {  	_ =	shalt  }
0x6d: {  	_ =	shalt  }
0x6e: {  	_ =	shalt  }
0x6f: {  	_ =	shalt  }
0x70: {  	_ =	shalt  }
0x71: {  	_ =	shalt  }
0x72: {  	_ =	shalt  }
0x73: {  	_ =	shalt  }
0x74: {  	_ =	shalt  }
0x75: {  	_ =	shalt  }
0x76: {  	_ =	shalt  }
0x77: {  	_ =	shalt  }
0x78: {  	_ =	shalt  }
0x79: {  	_ =	shalt  }
0x7a: {  	_ =	shalt  }
0x7b: {  	_ =	shalt  }
0x7c: {  	_ =	shalt  }
0x7d: {  	_ =	shalt  }
0x7e: {  	_ =	shalt  }
0x7f: {  	_ =	shalt  }
0x80: {  	_ =	shalt  }
0x81: {  	_ =	shalt  }
0x82: {  	_ =	shalt  }
0x83: {  	_ =	shalt  }
0x84: {  	_ =	shalt  }
0x85: {  	_ =	shalt  }
0x86: {  	_ =	shalt  }
0x87: {  	_ =	shalt  }
.Lfunc_end0:
.L_simem_size_0:
called_computation_lowered:
.L_overlay_start_0:
0x88: {  	s2 =	sld [smem:$0x3FD9]  }
0x89: {  	s3 =	sld [smem:$0x3FFE];
	_ =	sdelay $0x1  }
0x8a: {  	s1 =	srdreg.scid  }
0x8b: {  	s0 =	sand.u32 $0x1, s1  }
0x8c: {  	s17 =	sshll.u32 s0, $0xA;
	s2 =	sadd.s32 s3, s2  }
0x8d: {  	s2 =	sadd.s32 s2, s17  }
0x8e: {  	[smem:$0x3FB7] =	sst s2  }
0x8f: {  	_ = 	snop  }
0x90: {  	s2 =	sld [smem:$0x3FC9];
	(tm) =	ssettm $0x1  }
0x91: {  	s18 =	sld [smem:$0x3FFB];
	_ =	sdelay $0x3  }
0x92: {  	_ =	strace s18  }
0x93: {  	s3 =	sld [smem:$0x3FFC];
	_ =	sdelay $0x3  }
0x94: {  	_ =	strace s3  }
0x95: {  	s3 =	sld [smem:$0x3FFD];
	_ =	sdelay $0x3  }
0x96: {  	_ =	strace s3  }
0x97: {  	_ =	strace $0x8FFFFFFF  }
0x98: {  	s19 =	sld [smem:$0x3FDB];
	_ =	sdelay $0x1  }
0x99: {  	s4 =	simm.s32 $_scs_section_size  }
0x9a: {  	s5 =	simm.s32 $_size__tile_overlayer_lowered;
	s6 =	simm.s32 $_tile_overlayer_lowered  }
0x9b: {  	s22 =	simm.s32 $0x1BFF;
	s21 =	sshll.u32 s6, $0x1;
	s3 =	sadd.s32 s4, s19  }
0x9c: {  	s7 =	simm.s32 $0x0;
	s20 =	sshll.u32 s5, $0x1;
	s5 =	sadd.s32 s21, s3  }
0x9d: {  	[timem:s7], [sflag:s22] =	dma.local [hbm:s5], s20  }
0x9e: {  	_ =	swait.ge [sflag:s22], s20  }
0x9f: {  	s4 =	ssub.s32 $0x0, s20;
	[sflag:s22] =	ssyncset.done $0x0  }
0xa0: {  	[sflag:s22] =	ssyncadd.s32 s4;
	_ =	sdelay $0x1  }
0xa1: {  	s23 =	simm.s32 $0x1B8B  }
0xa2: {  	_ =	swait.ge [sflag:s23], $0x1  }
0xa3: {  	[sflag:s23] =	ssyncset.done $0x0  }
0xa4: {  	s25 =	simm.s32 $0x1B8E;
	s24 =	sld [smem:$0x3FFE];
	[sflag:s23] =	ssyncadd.s32 $0xFFFFFFFF  }
0xa5: {  	s26 =	simm.s32 $execute0_lowered;
	[smem:$0x3FD2] =	sst s25  }
0xa6: {  	s5 =	sshll.u32 s26, $0x1;
	_ =	strace $0x80000046;
	[dreg:$0x1] =	wrdreg $0xFFFFFFFF  }
0xa7: {  	s28 =	simm.s32 $_size_execute0_lowered;
	s3 =	sadd.s32 s3, s5;
	[dreg:$0x0] =	wrdreg $0x0  }
0xa8: {  	s5 =	sshll.u32 s28, $0x1;
	[dreg:$0x2] =	wrdreg s3  }
0xa9: {  	[dreg:$0x3] =	wrdreg s5  }
0xaa: {  	[dreg:$0x4] =	wrdreg $0xC0  }
0xab: {  	_ =	task [dreg:s7], $0x5FFFF  }
0xac: {  	[dreg:$0x1] =	wrdreg $0xFFFFFFFF  }
0xad: {  	[dreg:$0x0] =	wrdreg $0x60  }
0xae: {  	[dreg:$0x2] =	wrdreg s2  }
0xaf: {  	[dreg:$0x3] =	wrdreg s24  }
0xb0: {  	[dreg:$0x4] =	wrdreg $0x41000  }
0xb1: {  	[dreg:$0x5] =	wrdreg $0x9  }
0xb2: {  	_ =	task.clear_ibuf [dreg:s7], $0x6FFFF;
	_ =	strace $0x90000046  }
0xb3: {  	s29 =	simm.s32 $0x9;
	_ =	strace $0x80000048  }
0xb4: {  	_ =	swait.ge [sflag:s29], $0x1  }
0xb5: {  	[sflag:s29] =	ssyncadd.s32 $0xFFFFFFFF  }
0xb6: {  	_ =	strace $0x90000048  }
0xb7: {  	_ =	sfence  }
0xb8: {  	s30 =	sld [smem:$0x0];
	_ =	sdelay $0x2  }
0xb9: {  	s31 =	sshll.u32 s1, $0xD;
	s1 =	sshrl.u32 s1, $0x2  }
0xba: {  	s3 =	sand.u32 $0x4000, s31;
	s1 =	sadd.s32 s1, s30  }
0xbb: {  	s0 =	sor.u32 s3, s0;
	s1 =	sshll.u32 s1, $0x11  }
0xbc: {  	s0 =	sor.u32 s1, s0  }
0xbd: {  	s0 =	sadd.s32 $0x8F2B, s0  }
0xbe: {  	[sflag:s0] =	ssyncadd.remote.s32 $0x1  }
0xbf: {  	_ =	sfence.sel $0xFFFF  }
0xc0: {  	[dreg:$0x0] =	wrdreg $0xFFFFFFFF;
	(pc) =	sbr.abs _section_cstart, $3  }
0xc1: {  	[dreg:$0x1] =	wrdreg $0xFFFFFFFF  }
0xc2: {  	_ =	task.clear_ibuf [dreg:s7], $0x2FFFF;
	_ =	strace $0x9FFFFFFF  }
0xc3: {  	(tm) =	ssettm $0x7FFFFFFF  }
tec
execute0_lowered:
.L_overlay_start_1:
0x0: {  	(tag) =	ssettag $0x1  }
0x1: {  	s1 =	rddreg [dreg:$0x0]  }
0x2: {  	s5 =	rddreg [dreg:$0x1]  }
0x3: {  	s2 =	rddreg [dreg:$0x2]  }
0x4: {  	s0 =	rddreg [dreg:$0x3];
	s3 =	stileid.u32  }
0x5: {  	s6 =	srdreg.scid;
	s4 =	simm.s32 $0x0;
	s7 =	smul.u32 $0x1D00, s3  }
0x6: {  	s10 =	simm.s32 $0x64;
	s8 =	sand.u32 $0x1, s6;
	s6 =	smul.u32 $0x3200, s3  }
0x7: {  	s17 =	simm.s32 $0x2;
	s18 =	simm.s32 $0x80;
	s30 =	smul.u32 $0x4F000, s3  }
0x8: {  	s19 =	simm.s32 $0x1;
	s22 =	simm.s32 $0x0;
	s14 =	smul.u32 $0x13800, s3  }
0x9: {  	[smem:$0x7FF] =	sst s4;
	s11 =	sadd.s32 $0x18000, s5;
	s16 =	smul.u32 $0x4E000, s3  }
0xa: {  	s21 =	sadd.s32 $0x138000, s2;
	p0 =	seq.s32 s8, $0x0;
	_ =	strace $0x80000047  }
0xb: {  	s31 =	ssub.s32 $0x2, s8;
	s12 =	smul.u32 $0x138800, s8;
	s7 =	sadd.s32 $0x32000, s7  }
0xc: {  	s9 =	sshrl.u32 s31, $0x1;
	s10 =	simm.s32 @!p0 $0x3A;
	s16 =	sshrl.u32 s16, $0x2  }
0xd: {  	s7 =	smov.u32 @p0 s6;
	s6 =	sshrl.u32 s30, $0x2;
	s13 =	ssub.s32 s31, s9  }
0xe: {  	s14 =	sadd.s32 s14, s12;
	s12 =	sshrl.u32 s12, $0x3;
	s20 =	sadd.s32 s16, s2  }
0xf: {  	s16 =	simm.s32 $0x100;
	p0 =	sne.s32 s3, $0x0;
	s7 =	sshrl.u32 s7, $0x3  }
0x10: {  	s14 =	sshrl.u32 s14, $0x3;
	s12 =	sadd.s32 s11, s12;
	s13 =	smax.u32 s13, $0x1  }
0x11: {  	s20 =	sshrl.u32 s20, $0x3;
	s21 =	sshrl.u32 @!p0 s21, $0x3;
	s15 =	sadd.s32 s7, s5  }
0x12: {  	s5 =	sadd.s32 s6, s2;
	s11 =	sadd.s32 s11, s14;
	s12 =	sadd.s32 $0x27000, s12  }
0x13: {  	s6 =	sadd.s32 $0x4000, s5;
	s7 =	sadd.s32 $0x8000, s5;
	s8 =	sadd.s32 $0xC000, s5  }
0x14: {  	v0 =	vimm.f32 $0.0e+00;
	s9 =	sadd.s32 $0x10000, s5;
	s14 =	sadd.s32 $0x4400, s15;
	s15 =	sadd.s32 $0xE200, s15  }
.LBB2_1:
0x15: {  	s23 =	sand.u32 $0xFE00, s4  }
0x16: {  	s24 =	sand.u32 $0x70, s4;
	s25 =	sshrl.u32 s23, $0x2  }
0x17: {  	s23 =	simm.s32 $0x40;
	s25 =	sor.u32 s24, s25;
	s24 =	simm.s32 $0x0  }
.LBB2_2:
0x18: {  	p1 =	sne.s32 s23, $0xFFC0  }
0x19: {  	[tilespmem:s25+$0x100] =	vst v0;
	s24 =	sadd.s32 $0x10, s24;
	s25 =	smov.u32 s23;
	s23 =	sadd.s32 $0x40, s23  }
.Ltmp0:
0x1a: {  	(pc) =	sbr.rel @p1 .LBB2_2-.Ltmp0, $4  }
0x1b: {  	_ = 	snop  }
0x1c: {  	s25 =	sand.u32 $0xFE00, s25  }
0x1d: {  	s26 =	sand.u32 $0x70, s24;
	s25 =	sshrl.u32 s25, $0x2  }
0x1e: {  	s25 =	sor.u32 s26, s25  }
0x1f: {  	[tilespmem:s25+$0x100] =	vst v0  }
0x20: {  	[spmem:s5] =	stream.linear.scatter [tilespmem:s16], [sflag:$0x2], $0x4000, $0x38;
	[tilespmem:$0x17D00] =	vst v63  }
0x21: {  	_ =	swait.ge [sflag:s17], $0x4000  }
0x22: {  	[sflag:s17] =	ssyncset.done $0x0  }
0x23: {  	[sflag:s17] =	ssyncadd.s32 $0xFFFFC000  }
0x24: {  	[spmem:s6] =	stream.linear.scatter [tilespmem:s16], [sflag:$0x2], $0x4000, $0x38;
	[tilespmem:$0x17D00] =	vst v63  }
0x25: {  	_ =	swait.ge [sflag:s17], $0x4000  }
0x26: {  	[sflag:s17] =	ssyncset.done $0x0  }
0x27: {  	[sflag:s17] =	ssyncadd.s32 $0xFFFFC000  }
0x28: {  	[spmem:s7] =	stream.linear.scatter [tilespmem:s16], [sflag:$0x2], $0x4000, $0x38;
	[tilespmem:$0x17D00] =	vst v63  }
0x29: {  	_ =	swait.ge [sflag:s17], $0x4000  }
0x2a: {  	[sflag:s17] =	ssyncset.done $0x0  }
0x2b: {  	[sflag:s17] =	ssyncadd.s32 $0xFFFFC000  }
0x2c: {  	[spmem:s8] =	stream.linear.scatter [tilespmem:s16], [sflag:$0x2], $0x4000, $0x38;
	[tilespmem:$0x17D00] =	vst v63  }
0x2d: {  	_ =	swait.ge [sflag:s17], $0x4000  }
0x2e: {  	[sflag:s17] =	ssyncset.done $0x0  }
0x2f: {  	[sflag:s17] =	ssyncadd.s32 $0xFFFFC000  }
0x30: {  	[spmem:s9] =	stream.linear.scatter [tilespmem:s16], [sflag:$0x2], $0x3C00, $0x38;
	[tilespmem:$0x17D00] =	vst v63  }
0x31: {  	_ =	swait.ge [sflag:s17], $0x3C00  }
0x32: {  	[sflag:s17] =	ssyncset.done $0x0  }
0x33: {  	[sflag:s17] =	ssyncadd.s32 $0xFFFFC400  }
0x34: {  	[bflag:$0x0] =	sbarrier.arrive $0xFFFF  }
0x35: {  	[tilespmem:s4], [sflag:$0x2] =	stream.linear.gather [hbm4b:s15+s4], $0x80, $0x38;
	[tilespmem:$0x17D00] =	vst v63  }
0x36: {  	_ =	swait.ge [sflag:s17], $0x80  }
0x37: {  	[sflag:s17] =	ssyncset.done $0x0  }
0x38: {  	[sflag:s17] =	ssyncadd.s32 $0xFFFFFF80  }
0x39: {  	[tilespmem:s18], [sflag:$0x2] =	stream.linear.gather [hbm4b:s14+s4], $0x80, $0x38;
	[tilespmem:$0x17D00] =	vst v63  }
0x3a: {  	_ =	swait.ge [sflag:s17], $0x80  }
0x3b: {  	[sflag:s17] =	ssyncset.done $0x0  }
0x3c: {  	[sflag:s17] =	ssyncadd.s32 $0xFFFFFF80  }
0x3d: {  	[tilespmem:s16], [sflag:$0x1] =	stream.indirect.gather [hbm4b:s1+s18], $0x80, s4, s18, $0xb8;
	[tilespmem:$0x17D00] =	vst v63  }
0x3e: {  	p1 =	sne.s32 s10, $0x1;
	_ =	swait.ge [sflag:s19], $0x4000  }
.Ltmp1:
0x3f: {  	[sflag:s19] =	ssyncset.done $0x0;
	(pc) =	sbr.rel @!p1 .LBB2_5-.Ltmp1, $4  }
0x40: {  	[sflag:s19] =	ssyncadd.s32 $0xFFFFC000  }
0x41: {  	[spmem:s2] =	stream.indirect.scatter.add.f32 [tilespmem:s16], [sflag:$0x2], $0x80, s18, s18, $0xb8;
	[tilespmem:$0x17D00] =	vst v63  }
0x42: {  	s23 =	sadd.s32 $0xFFFFFFFF, s10;
	_ =	swait.ge [sflag:s17], $0x4000  }
0x43: {  	s24 =	smov.u32 s14;
	s25 =	smov.u32 s15;
	[sflag:s17] =	ssyncset.done $0x0  }
.LBB2_4:
0x44: {  	[sflag:s17] =	ssyncadd.s32 $0xFFFFC000;
	s24 =	sadd.s32 $0x10, s24;
	s25 =	sadd.s32 $0x10, s25  }
0x45: {  	[tilespmem:s4], [sflag:$0x2] =	stream.linear.gather [hbm4b:s25+s4], $0x80, $0x38;
	[tilespmem:$0x17D00] =	vst v63  }
0x46: {  	p1 =	sne.s32 s23, $0x1;
	s23 =	sadd.s32 $0xFFFFFFFF, s23;
	_ =	swait.ge [sflag:s17], $0x80  }
0x47: {  	[sflag:s17] =	ssyncset.done $0x0  }
0x48: {  	[sflag:s17] =	ssyncadd.s32 $0xFFFFFF80  }
0x49: {  	[tilespmem:s18], [sflag:$0x2] =	stream.linear.gather [hbm4b:s24+s4], $0x80, $0x38;
	[tilespmem:$0x17D00] =	vst v63  }
0x4a: {  	_ =	swait.ge [sflag:s17], $0x80  }
0x4b: {  	[sflag:s17] =	ssyncset.done $0x0  }
0x4c: {  	[sflag:s17] =	ssyncadd.s32 $0xFFFFFF80  }
0x4d: {  	[tilespmem:s16], [sflag:$0x1] =	stream.indirect.gather [hbm4b:s1+s18], $0x80, s4, s18, $0xb8;
	[tilespmem:$0x17D00] =	vst v63  }
0x4e: {  	_ =	swait.ge [sflag:s19], $0x4000  }
.Ltmp2:
0x4f: {  	[sflag:s19] =	ssyncset.done $0x0;
	(pc) =	sbr.rel @p1 .LBB2_4-.Ltmp2, $4  }
0x50: {  	[sflag:s19] =	ssyncadd.s32 $0xFFFFC000  }
0x51: {  	[spmem:s2] =	stream.indirect.scatter.add.f32 [tilespmem:s16], [sflag:$0x2], $0x80, s18, s18, $0xb8;
	[tilespmem:$0x17D00] =	vst v63  }
0x52: {  	_ =	swait.ge [sflag:s17], $0x4000  }
0x53: {  	[sflag:s17] =	ssyncset.done $0x0  }
.LBB2_5:
0x54: {  	[sflag:s17] =	ssyncadd.s32 $0xFFFFC000;
	s23 =	sshll.u32 s3, $0x6  }
0x55: {  	[bflag:$0x0] =	sbarrier.arrive $0xFFFF;
	s23 =	sor.u32 $0x1C02, s23  }
0x56: {  	[hbm:s11], [sflag:s23] =	dma.local [spmem:s20], $0x2700  }
0x57: {  	_ =	swait.ge [sflag:s17], $0x2700  }
0x58: {  	s22 =	sadd.s32 $0x1, s22;
	[sflag:s17] =	ssyncset.done $0x0  }
0x59: {  	p1 =	sne.s32 s22, s13;
	[sflag:s17] =	ssyncadd.s32 $0xFFFFD900  }
0x5a: {  	[hbm:s12], [sflag:s23] =	dma.local @!p0 [spmem:s21], $0x100  }
.Ltmp3:
0x5b: {  	_ = 	snop;
	(pc) =	sbr.rel @p1 .LBB2_1-.Ltmp3, $4  }
0x5c: {  	s23 =	simm.s32 @!p0 $0x2  }
0x5d: {  	_ =	swait.ge @!p0 [sflag:s23], $0x100  }
0x5e: {  	[sflag:s23] =	ssyncset.done @!p0 $0x0  }
0x5f: {  	[sflag:s23] =	ssyncadd.s32 @!p0 $0xFFFFFF00  }
0x60: {  	_ =	sfence.sel $0x180000  }
0x61: {  	[bflag:$0x0] =	sbarrier.arrive $0xFFFF  }
0x62: {  	_ =	strace $0x90000047  }
0x63: {  	s0 =	sadd.s32 @!p0 $0x100000, s0;
	[bflag:$0x2] =	sbarrier.arrive $0xFFFF  }
0x64: {  	[sflag:s0] =	ssyncadd.tile.s32 @!p0 $0x1;
	_ =	shalt  }
.Lfunc_end2:
_tile_overlayer_lowered:
.L_overlay_start_2:
0x65: {  	(tag) =	ssettag $0x2  }
0x66: {  	s0 =	rddreg [dreg:$0x0];
	s2 =	stileid.u32  }
0x67: {  	s1 =	rddreg [dreg:$0x1];
	p0 =	sne.s32 s2, $0x0  }
0x68: {  	s3 =	rddreg [dreg:$0x2];
	[bflag:$0x3] =	sbarrier.arrive $0xFFFF;
	s2 =	simm.s32 @!p0 $0x1C02  }
0x69: {  	[timem:s3], [sflag:s2] =	dma.local @!p0 [hbm:s0], s1  }
0x6a: {  	s0 =	simm.s32 @!p0 $0x2  }
0x6b: {  	_ =	swait.ge @!p0 [sflag:s0], s1  }
0x6c: {  	s1 =	ssub.s32 @!p0 $0x0, s1;
	[sflag:s0] =	ssyncset.done @!p0 $0x0  }
0x6d: {  	[sflag:s0] =	ssyncadd.s32 @!p0 s1  }
0x6e: {  	[bflag:$0x3] =	sbarrier.arrive $0xFFFF  }
0x6f: {  	_ =	shalt  }

</sc_bundles>
